<compile_context>
chip_gen: v7x
topology: tpu7x:2x2x1
jax: 0.10.2.dev20260603
libtpu: 0.0.44.dev20260713+nightly
codegen_flags: <defaults>
</compile_context>

<pallas_src>
import functools

import jax
import jax.numpy as jnp
from jax import lax
from jax.experimental import pallas as pl
from jax.experimental.pallas import tpu as pltpu
from jax.experimental.pallas import tpu_sc as plsc

N_NODES = 10000
IN_FEAT = 128
N_EDGES = 320000

NC, NS, L = 2, 16, 16
NW = NC * NS
E_PER_W = N_EDGES // NW
CHUNK = 128
E_PAD = 10112
N_CHUNKS = E_PAD // CHUNK
ACC_ROWS = 10240
ROWS_PER_SUB = ACC_ROWS // NS
DUMP_ROW = 10016
ZBLK = 128
HE_W = 16


def _sc_aggregate(h, idx, he_w, zero_hn):
    mesh = plsc.VectorSubcoreMesh(core_axis_name="c", subcore_axis_name="s")

    @functools.partial(
        pl.kernel,
        out_type=[
            jax.ShapeDtypeStruct((NC, ACC_ROWS, IN_FEAT), jnp.float32),
            jax.ShapeDtypeStruct((NC, ACC_ROWS), jnp.float32),
        ],
        mesh=mesh,
        scratch_types=[
            pltpu.VMEM_SHARED((ACC_ROWS, IN_FEAT), jnp.float32),
            pltpu.VMEM_SHARED((ACC_ROWS,), jnp.float32),
            pltpu.VMEM((2 * CHUNK,), jnp.int32),
            pltpu.VMEM((CHUNK,), jnp.float32),
            pltpu.VMEM((CHUNK, IN_FEAT), jnp.float32),
            pltpu.VMEM((ROWS_PER_SUB,), jnp.float32),
            pltpu.SemaphoreType.DMA,
            pltpu.SemaphoreType.DMA,
            pltpu.SemaphoreType.DMA,
        ],
    )
    def agg(h_hbm, idx_hbm, he_hbm, zhn_hbm,
            hn_out_hbm, he_out_hbm,
            hn_acc, he_acc, idx_c, he_c, rows_v, he_stage, sem,
            sem_he, sem_hl):
        cid = lax.axis_index("c")
        sid = lax.axis_index("s")
        wid = cid * NS + sid
        r0 = sid * ROWS_PER_SUB

        zstage = rows_v.at[pl.ds(0, ZBLK)]
        pltpu.sync_copy(zhn_hbm, zstage)
        for k in range(ROWS_PER_SUB // ZBLK):
            pltpu.sync_copy(zstage, hn_acc.at[pl.ds(r0 + k * ZBLK, ZBLK)])
        for i in range(ROWS_PER_SUB // L):
            he_stage[pl.ds(i * L, L)] = jnp.zeros((L,), jnp.float32)
        pltpu.sync_copy(he_stage, he_acc.at[pl.ds(r0, ROWS_PER_SUB)])

        plsc.subcore_barrier()

        def body(j, carry):
            pltpu.sync_copy(
                idx_hbm.at[wid].at[pl.ds(j * 2 * CHUNK, 2 * CHUNK)], idx_c)
            d_hl = pltpu.async_copy(
                he_hbm.at[wid].at[pl.ds(j * CHUNK, CHUNK)], he_c, sem_hl)
            dst_c = idx_c.at[pl.ds(0, CHUNK)]
            src_c = idx_c.at[pl.ds(CHUNK, CHUNK)]
            pltpu.async_copy(h_hbm.at[src_c], rows_v, sem).wait()
            d_hl.wait()
            d_he = pltpu.async_copy(he_c, he_acc.at[dst_c], sem_he, add=True)
            pltpu.sync_copy(rows_v, hn_acc.at[dst_c], add=True)
            d_he.wait()
            return carry

        lax.fori_loop(0, N_CHUNKS, body, 0)

        plsc.subcore_barrier()

        for k in range(ROWS_PER_SUB // ZBLK):
            rr = r0 + k * ZBLK
            pltpu.sync_copy(hn_acc.at[pl.ds(rr, ZBLK)], zstage)
            pltpu.sync_copy(zstage, hn_out_hbm.at[cid].at[pl.ds(rr, ZBLK)])
        pltpu.sync_copy(he_acc.at[pl.ds(r0, ROWS_PER_SUB)], he_stage)
        pltpu.sync_copy(he_stage, he_out_hbm.at[cid].at[pl.ds(r0, ROWS_PER_SUB)])

    return agg(h, idx, he_w, zero_hn)


def _tc_mlp(h, hn_p, he0, he1, W1a, W1b, w1c, b1, W2, b2, W3, b3):
    NB = 10
    BLK = N_NODES // NB

    def body(h_ref, hn_ref, he0_ref, he1_ref,
             W1a_ref, W1b_ref, w1c_ref, b1_ref, W2_ref, b2_ref,
             W3_ref, b3_ref, out_ref):
        hn = hn_ref[0] + hn_ref[1]
        he_col = he0_ref[...] + he1_ref[...]
        x = jnp.dot(h_ref[...], W1a_ref[...], preferred_element_type=jnp.float32)
        x = x + jnp.dot(hn, W1b_ref[...], preferred_element_type=jnp.float32)
        x = jnp.maximum(x + he_col * w1c_ref[...] + b1_ref[...], 0.0)
        x = jnp.maximum(
            jnp.dot(x, W2_ref[...], preferred_element_type=jnp.float32) + b2_ref[...], 0.0)
        out_ref[...] = (
            jnp.dot(x, W3_ref[...], preferred_element_type=jnp.float32) + b3_ref[...])

    full = lambda i: (0, 0)
    rows = lambda i: (i, 0)
    return pl.pallas_call(
        body,
        grid=(NB,),
        in_specs=[
            pl.BlockSpec((BLK, IN_FEAT), rows),
            pl.BlockSpec((NC, BLK, IN_FEAT), lambda i: (0, i, 0)),
            pl.BlockSpec((BLK, 1), rows),
            pl.BlockSpec((BLK, 1), rows),
            pl.BlockSpec((IN_FEAT, IN_FEAT), full),
            pl.BlockSpec((IN_FEAT, IN_FEAT), full),
            pl.BlockSpec((1, IN_FEAT), full),
            pl.BlockSpec((1, IN_FEAT), full),
            pl.BlockSpec((IN_FEAT, IN_FEAT), full),
            pl.BlockSpec((1, IN_FEAT), full),
            pl.BlockSpec((IN_FEAT, 1), full),
            pl.BlockSpec((1, 1), full),
        ],
        out_specs=pl.BlockSpec((BLK, 1), rows),
        out_shape=jax.ShapeDtypeStruct((N_NODES, 1), jnp.float32),
    )(h, hn_p, he0, he1, W1a, W1b, w1c, b1, W2, b2, W3, b3)


def kernel(h, edge_index, he, W1, b1, W2, b2, W3, b3):
    ei = edge_index.astype(jnp.int32)
    pad = E_PAD - E_PER_W
    src = jnp.pad(ei[0].reshape(NW, E_PER_W), ((0, 0), (0, pad)))
    dst = jnp.pad(ei[1].reshape(NW, E_PER_W), ((0, 0), (0, pad)),
                  constant_values=DUMP_ROW)
    idx = jnp.stack(
        [dst.reshape(NW, N_CHUNKS, CHUNK), src.reshape(NW, N_CHUNKS, CHUNK)],
        axis=2).reshape(NW, 2 * E_PAD)
    he_w = jnp.pad(he.reshape(NW, E_PER_W), ((0, 0), (0, pad)))
    zero_hn = jnp.zeros((ZBLK, IN_FEAT), jnp.float32)
    hn_p, he_p = _sc_aggregate(h, idx, he_w, zero_hn)
    he0 = he_p[0, :N_NODES].reshape(N_NODES, 1)
    he1 = he_p[1, :N_NODES].reshape(N_NODES, 1)
    W1a = W1[:IN_FEAT]
    W1b = W1[IN_FEAT:2 * IN_FEAT]
    w1c = W1[2 * IN_FEAT:]
    return _tc_mlp(h, hn_p, he0, he1, W1a, W1b, w1c,
                   b1.reshape(1, IN_FEAT), W2, b2.reshape(1, IN_FEAT),
                   W3, b3.reshape(1, 1))

# --- scband reference (transcript-rebuilt; emitter-appended) ---
"""Pipeline reference for scband-regression-branch-gat-76192719831676 (READ-ONLY COPY).

The authoritative reference and input builder live on the scoring server;
editing this copy changes nothing except your own understanding.
"""

import jax, jax.numpy as jnp
import numpy as np

IN_FEAT = 128
OUT_FEAT = 1
N_NODES = 10000
N_EDGES = 320000

def setup_inputs(seed: int = 0) -> dict:
    key = jax.random.key(seed)
    k_h, k_ei, k_he, k_w1, k_b1, k_w2, k_b2, k_w3, k_b3 = jax.random.split(key, 9)
    h = jax.random.normal(k_h, (N_NODES, IN_FEAT), dtype=jnp.float32)
    edge_index = jax.random.randint(k_ei, (2, N_EDGES), 0, N_NODES, dtype=jnp.int64)
    he = jax.random.normal(k_he, (N_EDGES, 1), dtype=jnp.float32)
    d1_in = IN_FEAT * 2 + 1
    W1 = jax.random.normal(k_w1, (d1_in, IN_FEAT), dtype=jnp.float32) * (1.0 / np.sqrt(d1_in))
    b1 = jax.random.normal(k_b1, (IN_FEAT,), dtype=jnp.float32) * 0.01
    W2 = jax.random.normal(k_w2, (IN_FEAT, IN_FEAT), dtype=jnp.float32) * (1.0 / np.sqrt(IN_FEAT))
    b2 = jax.random.normal(k_b2, (IN_FEAT,), dtype=jnp.float32) * 0.01
    W3 = jax.random.normal(k_w3, (IN_FEAT, OUT_FEAT), dtype=jnp.float32) * (1.0 / np.sqrt(IN_FEAT))
    b3 = jax.random.normal(k_b3, (OUT_FEAT,), dtype=jnp.float32) * 0.01
    return {"h": h, "edge_index": edge_index, "he": he, "W1": W1, "b1": b1, "W2": W2, "b2": b2, "W3": W3, "b3": b3}

def reference(h, edge_index, he, W1, b1, W2, b2, W3, b3):
    src = edge_index[0]
    dst = edge_index[1]
    n = h.shape[0]
    # update_all(copy_u('hn','m'), sum('m','hn_aggr')): gather src node feats, scatter-add to dst
    hn_aggr = jax.ops.segment_sum(jnp.take(h, src, axis=0), dst, num_segments=n)
    # update_all(copy_e('he','m'), sum('m','he_aggr')): scatter-add edge feats to dst
    he_aggr = jax.ops.segment_sum(he, dst, num_segments=n)
    h_total = jnp.concatenate([h, hn_aggr, he_aggr], axis=1)
    x = jax.nn.relu(h_total @ W1 + b1)
    x = jax.nn.relu(x @ W2 + b2)
    out = x @ W3 + b3
    return out

if __name__ == "__main__":
    import jax
    _d = setup_inputs()
    print(jax.jit(kernel)(*tuple(_d.values())))

</pallas_src>

<mosaic_0001>
#map = affine_map<(d0, d1) -> (0, 0)>
#map1 = affine_map<(d0, d1) -> (0, 0, 0)>
module attributes {stable_mosaic.version = 14 : i64} {
  func.func @agg(%arg0: i32, %arg1: i32, %arg2: memref<10000x128xf32, #tpu.memory_space<hbm>>, %arg3: memref<32x20224xi32, #tpu.memory_space<hbm>>, %arg4: memref<32x10112xf32, #tpu.memory_space<hbm>>, %arg5: memref<128x128xf32, #tpu.memory_space<hbm>>, %arg6: memref<2x10240x128xf32, #tpu.memory_space<hbm>>, %arg7: memref<2x10240xf32, #tpu.memory_space<hbm>>, %arg8: memref<10240x128xf32, #tpu.memory_space<vmem_shared>>, %arg9: memref<10240xf32, #tpu.memory_space<vmem_shared>>, %arg10: memref<256xi32, #tpu.memory_space<vmem>>, %arg11: memref<128xf32, #tpu.memory_space<vmem>>, %arg12: memref<128x128xf32, #tpu.memory_space<vmem>>, %arg13: memref<640xf32, #tpu.memory_space<vmem>>, %arg14: memref<!tpu.dma_semaphore, #tpu.memory_space<semaphore_mem>>, %arg15: memref<!tpu.dma_semaphore, #tpu.memory_space<semaphore_mem>>, %arg16: memref<!tpu.dma_semaphore, #tpu.memory_space<semaphore_mem>>) attributes {dimension_semantics = [#tpu.dimension_semantics<core_parallel>, #tpu.dimension_semantics<subcore_parallel>], iteration_bounds = array<i64: 2, 16>, scalar_prefetch = 0 : i64, scratch_operands = 9 : i64, tpu.core_type = #tpu.core_type<sc_vector_subcore>, window_params = [{transform_indices = #map}, {transform_indices = #map}, {transform_indices = #map}, {transform_indices = #map}, {transform_indices = #map1}, {transform_indices = #map}]} {
    %mul3A = arith.constant 16 : i32
    %mul3A_0 = arith.muli %arg0, %mul3A : i32
    %add3A = arith.addi %mul3A_0, %arg1 : i32
    %mul3A_1 = arith.constant 640 : i32
    %mul3A_2 = arith.muli %arg1, %mul3A_1 : i32
    "tpu.region"() ({
      %run_scoped3A = tpu.sem_alloc : memref<!tpu.dma_semaphore, #tpu.memory_space<semaphore_mem>>
      %dma_start3A = arith.constant 0 : i32
      %dma_start3A_267 = arith.constant 0 : i32
      %dma_start3A_268 = tpu.memref_slice %arg12[%dma_start3A, %dma_start3A_267] : memref<128x128xf32, #tpu.memory_space<vmem>> -> memref<128x128xf32, #tpu.memory_space<vmem>>
      %dma_start3A_269 = arith.constant 0 : i32
      %dma_start3A_270 = arith.constant 0 : i32
      %dma_start3A_271 = tpu.memref_slice %arg12[%dma_start3A_269, %dma_start3A_270] : memref<128x128xf32, #tpu.memory_space<vmem>> -> memref<128x128xf32, #tpu.memory_space<vmem>>
      tpu.enqueue_dma source(%arg5 : memref<128x128xf32, #tpu.memory_space<hbm>>) target(%dma_start3A_271 : memref<128x128xf32, #tpu.memory_space<vmem>>) target_semaphore(%run_scoped3A : memref<!tpu.dma_semaphore, #tpu.memory_space<semaphore_mem>>)
      %dma_wait3A = arith.constant 0 : i32
      %dma_wait3A_272 = arith.constant 0 : i32
      %dma_wait3A_273 = tpu.memref_slice %arg12[%dma_wait3A, %dma_wait3A_272] : memref<128x128xf32, #tpu.memory_space<vmem>> -> memref<128x128xf32, #tpu.memory_space<vmem>>
      %dma_wait3A_274 = arith.constant 0 : i32
      %dma_wait3A_275 = arith.constant 0 : i32
      %dma_wait3A_276 = tpu.memref_slice %arg12[%dma_wait3A_274, %dma_wait3A_275] : memref<128x128xf32, #tpu.memory_space<vmem>> -> memref<128x128xf32, #tpu.memory_space<vmem>>
      tpu.wait_dma2 semaphore(%run_scoped3A : memref<!tpu.dma_semaphore, #tpu.memory_space<semaphore_mem>>) src(%arg5 : memref<128x128xf32, #tpu.memory_space<hbm>>) dst(%dma_wait3A_276 : memref<128x128xf32, #tpu.memory_space<vmem>>)
      tpu.yield
    }) : () -> ()
    %add3A_3 = arith.constant 0 : i32
    %add3A_4 = arith.addi %mul3A_2, %add3A_3 : i32
    "tpu.region"() ({
      %run_scoped3A = tpu.sem_alloc : memref<!tpu.dma_semaphore, #tpu.memory_space<semaphore_mem>>
      %dma_start3A = arith.constant 0 : i32
      %dma_start3A_267 = arith.constant 0 : i32
      %dma_start3A_268 = tpu.memref_slice %arg12[%dma_start3A, %dma_start3A_267] : memref<128x128xf32, #tpu.memory_space<vmem>> -> memref<128x128xf32, #tpu.memory_space<vmem>>
      %dma_start3A_269 = arith.constant 0 : i32
      %dma_start3A_270 = tpu.memref_slice %arg8[%add3A_4, %dma_start3A_269] : memref<10240x128xf32, #tpu.memory_space<vmem_shared>> -> memref<128x128xf32, #tpu.memory_space<vmem_shared>>
      %dma_start3A_271 = arith.constant 0 : i32
      %dma_start3A_272 = tpu.memref_slice %arg8[%add3A_4, %dma_start3A_271] : memref<10240x128xf32, #tpu.memory_space<vmem_shared>> -> memref<128x128xf32, #tpu.memory_space<vmem_shared>>
      %dma_start3A_273 = arith.constant 0 : i32
      %dma_start3A_274 = arith.constant 0 : i32
      %dma_start3A_275 = tpu.memref_slice %arg12[%dma_start3A_273, %dma_start3A_274] : memref<128x128xf32, #tpu.memory_space<vmem>> -> memref<128x128xf32, #tpu.memory_space<vmem>>
      tpu.enqueue_dma source(%dma_start3A_275 : memref<128x128xf32, #tpu.memory_space<vmem>>) target(%dma_start3A_272 : memref<128x128xf32, #tpu.memory_space<vmem_shared>>) target_semaphore(%run_scoped3A : memref<!tpu.dma_semaphore, #tpu.memory_space<semaphore_mem>>)
      %dma_wait3A = arith.constant 0 : i32
      %dma_wait3A_276 = arith.constant 0 : i32
      %dma_wait3A_277 = tpu.memref_slice %arg12[%dma_wait3A, %dma_wait3A_276] : memref<128x128xf32, #tpu.memory_space<vmem>> -> memref<128x128xf32, #tpu.memory_space<vmem>>
      %dma_wait3A_278 = arith.constant 0 : i32
      %dma_wait3A_279 = tpu.memref_slice %arg8[%add3A_4, %dma_wait3A_278] : memref<10240x128xf32, #tpu.memory_space<vmem_shared>> -> memref<128x128xf32, #tpu.memory_space<vmem_shared>>
      %dma_wait3A_280 = arith.constant 0 : i32
      %dma_wait3A_281 = tpu.memref_slice %arg8[%add3A_4, %dma_wait3A_280] : memref<10240x128xf32, #tpu.memory_space<vmem_shared>> -> memref<128x128xf32, #tpu.memory_space<vmem_shared>>
      %dma_wait3A_282 = arith.constant 0 : i32
      %dma_wait3A_283 = arith.constant 0 : i32
      %dma_wait3A_284 = tpu.memref_slice %arg12[%dma_wait3A_282, %dma_wait3A_283] : memref<128x128xf32, #tpu.memory_space<vmem>> -> memref<128x128xf32, #tpu.memory_space<vmem>>
      tpu.wait_dma2 semaphore(%run_scoped3A : memref<!tpu.dma_semaphore, #tpu.memory_space<semaphore_mem>>) src(%dma_wait3A_284 : memref<128x128xf32, #tpu.memory_space<vmem>>) dst(%dma_wait3A_281 : memref<128x128xf32, #tpu.memory_space<vmem_shared>>)
      tpu.yield
    }) : () -> ()
    %add3A_5 = arith.constant 128 : i32
    %add3A_6 = arith.addi %mul3A_2, %add3A_5 : i32
    "tpu.region"() ({
      %run_scoped3A = tpu.sem_alloc : memref<!tpu.dma_semaphore, #tpu.memory_space<semaphore_mem>>
      %dma_start3A = arith.constant 0 : i32
      %dma_start3A_267 = arith.constant 0 : i32
      %dma_start3A_268 = tpu.memref_slice %arg12[%dma_start3A, %dma_start3A_267] : memref<128x128xf32, #tpu.memory_space<vmem>> -> memref<128x128xf32, #tpu.memory_space<vmem>>
      %dma_start3A_269 = arith.constant 0 : i32
      %dma_start3A_270 = tpu.memref_slice %arg8[%add3A_6, %dma_start3A_269] : memref<10240x128xf32, #tpu.memory_space<vmem_shared>> -> memref<128x128xf32, #tpu.memory_space<vmem_shared>>
      %dma_start3A_271 = arith.constant 0 : i32
      %dma_start3A_272 = tpu.memref_slice %arg8[%add3A_6, %dma_start3A_271] : memref<10240x128xf32, #tpu.memory_space<vmem_shared>> -> memref<128x128xf32, #tpu.memory_space<vmem_shared>>
      %dma_start3A_273 = arith.constant 0 : i32
      %dma_start3A_274 = arith.constant 0 : i32
      %dma_start3A_275 = tpu.memref_slice %arg12[%dma_start3A_273, %dma_start3A_274] : memref<128x128xf32, #tpu.memory_space<vmem>> -> memref<128x128xf32, #tpu.memory_space<vmem>>
      tpu.enqueue_dma source(%dma_start3A_275 : memref<128x128xf32, #tpu.memory_space<vmem>>) target(%dma_start3A_272 : memref<128x128xf32, #tpu.memory_space<vmem_shared>>) target_semaphore(%run_scoped3A : memref<!tpu.dma_semaphore, #tpu.memory_space<semaphore_mem>>)
      %dma_wait3A = arith.constant 0 : i32
      %dma_wait3A_276 = arith.constant 0 : i32
      %dma_wait3A_277 = tpu.memref_slice %arg12[%dma_wait3A, %dma_wait3A_276] : memref<128x128xf32, #tpu.memory_space<vmem>> -> memref<128x128xf32, #tpu.memory_space<vmem>>
      %dma_wait3A_278 = arith.constant 0 : i32
      %dma_wait3A_279 = tpu.memref_slice %arg8[%add3A_6, %dma_wait3A_278] : memref<10240x128xf32, #tpu.memory_space<vmem_shared>> -> memref<128x128xf32, #tpu.memory_space<vmem_shared>>
      %dma_wait3A_280 = arith.constant 0 : i32
      %dma_wait3A_281 = tpu.memref_slice %arg8[%add3A_6, %dma_wait3A_280] : memref<10240x128xf32, #tpu.memory_space<vmem_shared>> -> memref<128x128xf32, #tpu.memory_space<vmem_shared>>
      %dma_wait3A_282 = arith.constant 0 : i32
      %dma_wait3A_283 = arith.constant 0 : i32
      %dma_wait3A_284 = tpu.memref_slice %arg12[%dma_wait3A_282, %dma_wait3A_283] : memref<128x128xf32, #tpu.memory_space<vmem>> -> memref<128x128xf32, #tpu.memory_space<vmem>>
      tpu.wait_dma2 semaphore(%run_scoped3A : memref<!tpu.dma_semaphore, #tpu.memory_space<semaphore_mem>>) src(%dma_wait3A_284 : memref<128x128xf32, #tpu.memory_space<vmem>>) dst(%dma_wait3A_281 : memref<128x128xf32, #tpu.memory_space<vmem_shared>>)
      tpu.yield
    }) : () -> ()
    %add3A_7 = arith.constant 256 : i32
    %add3A_8 = arith.addi %mul3A_2, %add3A_7 : i32
    "tpu.region"() ({
      %run_scoped3A = tpu.sem_alloc : memref<!tpu.dma_semaphore, #tpu.memory_space<semaphore_mem>>
      %dma_start3A = arith.constant 0 : i32
      %dma_start3A_267 = arith.constant 0 : i32
      %dma_start3A_268 = tpu.memref_slice %arg12[%dma_start3A, %dma_start3A_267] : memref<128x128xf32, #tpu.memory_space<vmem>> -> memref<128x128xf32, #tpu.memory_space<vmem>>
      %dma_start3A_269 = arith.constant 0 : i32
      %dma_start3A_270 = tpu.memref_slice %arg8[%add3A_8, %dma_start3A_269] : memref<10240x128xf32, #tpu.memory_space<vmem_shared>> -> memref<128x128xf32, #tpu.memory_space<vmem_shared>>
      %dma_start3A_271 = arith.constant 0 : i32
      %dma_start3A_272 = tpu.memref_slice %arg8[%add3A_8, %dma_start3A_271] : memref<10240x128xf32, #tpu.memory_space<vmem_shared>> -> memref<128x128xf32, #tpu.memory_space<vmem_shared>>
      %dma_start3A_273 = arith.constant 0 : i32
      %dma_start3A_274 = arith.constant 0 : i32
      %dma_start3A_275 = tpu.memref_slice %arg12[%dma_start3A_273, %dma_start3A_274] : memref<128x128xf32, #tpu.memory_space<vmem>> -> memref<128x128xf32, #tpu.memory_space<vmem>>
      tpu.enqueue_dma source(%dma_start3A_275 : memref<128x128xf32, #tpu.memory_space<vmem>>) target(%dma_start3A_272 : memref<128x128xf32, #tpu.memory_space<vmem_shared>>) target_semaphore(%run_scoped3A : memref<!tpu.dma_semaphore, #tpu.memory_space<semaphore_mem>>)
      %dma_wait3A = arith.constant 0 : i32
      %dma_wait3A_276 = arith.constant 0 : i32
      %dma_wait3A_277 = tpu.memref_slice %arg12[%dma_wait3A, %dma_wait3A_276] : memref<128x128xf32, #tpu.memory_space<vmem>> -> memref<128x128xf32, #tpu.memory_space<vmem>>
      %dma_wait3A_278 = arith.constant 0 : i32
      %dma_wait3A_279 = tpu.memref_slice %arg8[%add3A_8, %dma_wait3A_278] : memref<10240x128xf32, #tpu.memory_space<vmem_shared>> -> memref<128x128xf32, #tpu.memory_space<vmem_shared>>
      %dma_wait3A_280 = arith.constant 0 : i32
      %dma_wait3A_281 = tpu.memref_slice %arg8[%add3A_8, %dma_wait3A_280] : memref<10240x128xf32, #tpu.memory_space<vmem_shared>> -> memref<128x128xf32, #tpu.memory_space<vmem_shared>>
      %dma_wait3A_282 = arith.constant 0 : i32
      %dma_wait3A_283 = arith.constant 0 : i32
      %dma_wait3A_284 = tpu.memref_slice %arg12[%dma_wait3A_282, %dma_wait3A_283] : memref<128x128xf32, #tpu.memory_space<vmem>> -> memref<128x128xf32, #tpu.memory_space<vmem>>
      tpu.wait_dma2 semaphore(%run_scoped3A : memref<!tpu.dma_semaphore, #tpu.memory_space<semaphore_mem>>) src(%dma_wait3A_284 : memref<128x128xf32, #tpu.memory_space<vmem>>) dst(%dma_wait3A_281 : memref<128x128xf32, #tpu.memory_space<vmem_shared>>)
      tpu.yield
    }) : () -> ()
    %add3A_9 = arith.constant 384 : i32
    %add3A_10 = arith.addi %mul3A_2, %add3A_9 : i32
    "tpu.region"() ({
      %run_scoped3A = tpu.sem_alloc : memref<!tpu.dma_semaphore, #tpu.memory_space<semaphore_mem>>
      %dma_start3A = arith.constant 0 : i32
      %dma_start3A_267 = arith.constant 0 : i32
      %dma_start3A_268 = tpu.memref_slice %arg12[%dma_start3A, %dma_start3A_267] : memref<128x128xf32, #tpu.memory_space<vmem>> -> memref<128x128xf32, #tpu.memory_space<vmem>>
      %dma_start3A_269 = arith.constant 0 : i32
      %dma_start3A_270 = tpu.memref_slice %arg8[%add3A_10, %dma_start3A_269] : memref<10240x128xf32, #tpu.memory_space<vmem_shared>> -> memref<128x128xf32, #tpu.memory_space<vmem_shared>>
      %dma_start3A_271 = arith.constant 0 : i32
      %dma_start3A_272 = tpu.memref_slice %arg8[%add3A_10, %dma_start3A_271] : memref<10240x128xf32, #tpu.memory_space<vmem_shared>> -> memref<128x128xf32, #tpu.memory_space<vmem_shared>>
      %dma_start3A_273 = arith.constant 0 : i32
      %dma_start3A_274 = arith.constant 0 : i32
      %dma_start3A_275 = tpu.memref_slice %arg12[%dma_start3A_273, %dma_start3A_274] : memref<128x128xf32, #tpu.memory_space<vmem>> -> memref<128x128xf32, #tpu.memory_space<vmem>>
      tpu.enqueue_dma source(%dma_start3A_275 : memref<128x128xf32, #tpu.memory_space<vmem>>) target(%dma_start3A_272 : memref<128x128xf32, #tpu.memory_space<vmem_shared>>) target_semaphore(%run_scoped3A : memref<!tpu.dma_semaphore, #tpu.memory_space<semaphore_mem>>)
      %dma_wait3A = arith.constant 0 : i32
      %dma_wait3A_276 = arith.constant 0 : i32
      %dma_wait3A_277 = tpu.memref_slice %arg12[%dma_wait3A, %dma_wait3A_276] : memref<128x128xf32, #tpu.memory_space<vmem>> -> memref<128x128xf32, #tpu.memory_space<vmem>>
      %dma_wait3A_278 = arith.constant 0 : i32
      %dma_wait3A_279 = tpu.memref_slice %arg8[%add3A_10, %dma_wait3A_278] : memref<10240x128xf32, #tpu.memory_space<vmem_shared>> -> memref<128x128xf32, #tpu.memory_space<vmem_shared>>
      %dma_wait3A_280 = arith.constant 0 : i32
      %dma_wait3A_281 = tpu.memref_slice %arg8[%add3A_10, %dma_wait3A_280] : memref<10240x128xf32, #tpu.memory_space<vmem_shared>> -> memref<128x128xf32, #tpu.memory_space<vmem_shared>>
      %dma_wait3A_282 = arith.constant 0 : i32
      %dma_wait3A_283 = arith.constant 0 : i32
      %dma_wait3A_284 = tpu.memref_slice %arg12[%dma_wait3A_282, %dma_wait3A_283] : memref<128x128xf32, #tpu.memory_space<vmem>> -> memref<128x128xf32, #tpu.memory_space<vmem>>
      tpu.wait_dma2 semaphore(%run_scoped3A : memref<!tpu.dma_semaphore, #tpu.memory_space<semaphore_mem>>) src(%dma_wait3A_284 : memref<128x128xf32, #tpu.memory_space<vmem>>) dst(%dma_wait3A_281 : memref<128x128xf32, #tpu.memory_space<vmem_shared>>)
      tpu.yield
    }) : () -> ()
    %add3A_11 = arith.constant 512 : i32
    %add3A_12 = arith.addi %mul3A_2, %add3A_11 : i32
    "tpu.region"() ({
      %run_scoped3A = tpu.sem_alloc : memref<!tpu.dma_semaphore, #tpu.memory_space<semaphore_mem>>
      %dma_start3A = arith.constant 0 : i32
      %dma_start3A_267 = arith.constant 0 : i32
      %dma_start3A_268 = tpu.memref_slice %arg12[%dma_start3A, %dma_start3A_267] : memref<128x128xf32, #tpu.memory_space<vmem>> -> memref<128x128xf32, #tpu.memory_space<vmem>>
      %dma_start3A_269 = arith.constant 0 : i32
      %dma_start3A_270 = tpu.memref_slice %arg8[%add3A_12, %dma_start3A_269] : memref<10240x128xf32, #tpu.memory_space<vmem_shared>> -> memref<128x128xf32, #tpu.memory_space<vmem_shared>>
      %dma_start3A_271 = arith.constant 0 : i32
      %dma_start3A_272 = tpu.memref_slice %arg8[%add3A_12, %dma_start3A_271] : memref<10240x128xf32, #tpu.memory_space<vmem_shared>> -> memref<128x128xf32, #tpu.memory_space<vmem_shared>>
      %dma_start3A_273 = arith.constant 0 : i32
      %dma_start3A_274 = arith.constant 0 : i32
      %dma_start3A_275 = tpu.memref_slice %arg12[%dma_start3A_273, %dma_start3A_274] : memref<128x128xf32, #tpu.memory_space<vmem>> -> memref<128x128xf32, #tpu.memory_space<vmem>>
      tpu.enqueue_dma source(%dma_start3A_275 : memref<128x128xf32, #tpu.memory_space<vmem>>) target(%dma_start3A_272 : memref<128x128xf32, #tpu.memory_space<vmem_shared>>) target_semaphore(%run_scoped3A : memref<!tpu.dma_semaphore, #tpu.memory_space<semaphore_mem>>)
      %dma_wait3A = arith.constant 0 : i32
      %dma_wait3A_276 = arith.constant 0 : i32
      %dma_wait3A_277 = tpu.memref_slice %arg12[%dma_wait3A, %dma_wait3A_276] : memref<128x128xf32, #tpu.memory_space<vmem>> -> memref<128x128xf32, #tpu.memory_space<vmem>>
      %dma_wait3A_278 = arith.constant 0 : i32
      %dma_wait3A_279 = tpu.memref_slice %arg8[%add3A_12, %dma_wait3A_278] : memref<10240x128xf32, #tpu.memory_space<vmem_shared>> -> memref<128x128xf32, #tpu.memory_space<vmem_shared>>
      %dma_wait3A_280 = arith.constant 0 : i32
      %dma_wait3A_281 = tpu.memref_slice %arg8[%add3A_12, %dma_wait3A_280] : memref<10240x128xf32, #tpu.memory_space<vmem_shared>> -> memref<128x128xf32, #tpu.memory_space<vmem_shared>>
      %dma_wait3A_282 = arith.constant 0 : i32
      %dma_wait3A_283 = arith.constant 0 : i32
      %dma_wait3A_284 = tpu.memref_slice %arg12[%dma_wait3A_282, %dma_wait3A_283] : memref<128x128xf32, #tpu.memory_space<vmem>> -> memref<128x128xf32, #tpu.memory_space<vmem>>
      tpu.wait_dma2 semaphore(%run_scoped3A : memref<!tpu.dma_semaphore, #tpu.memory_space<semaphore_mem>>) src(%dma_wait3A_284 : memref<128x128xf32, #tpu.memory_space<vmem>>) dst(%dma_wait3A_281 : memref<128x128xf32, #tpu.memory_space<vmem_shared>>)
      tpu.yield
    }) : () -> ()
    %broadcast_in_dim3A = arith.constant 0.000000e+00 : f32
    %broadcast_in_dim3A_13 = vector.broadcast %broadcast_in_dim3A : f32 to vector<16xf32>
    %swap3A = arith.constant 0 : index
    %swap3A_14 = tpu.vector_load %arg13[%swap3A] {strides = array<i32>} : memref<640xf32, #tpu.memory_space<vmem>>, vector<16xf32>,
    %swap3A_15 = vector.shape_cast %swap3A_14 : vector<16xf32> to vector<16xf32>
    %swap3A_16 = vector.shape_cast %broadcast_in_dim3A_13 : vector<16xf32> to vector<16xf32>
    tpu.vector_store %arg13[%swap3A], %swap3A_16 {strides = array<i32>} : memref<640xf32, #tpu.memory_space<vmem>>, vector<16xf32>,
    %broadcast_in_dim3A_17 = arith.constant 0.000000e+00 : f32
    %broadcast_in_dim3A_18 = vector.broadcast %broadcast_in_dim3A_17 : f32 to vector<16xf32>
    %swap3A_19 = arith.constant 16 : index
    %swap3A_20 = tpu.vector_load %arg13[%swap3A_19] {strides = array<i32>} : memref<640xf32, #tpu.memory_space<vmem>>, vector<16xf32>,
    %swap3A_21 = vector.shape_cast %swap3A_20 : vector<16xf32> to vector<16xf32>
    %swap3A_22 = vector.shape_cast %broadcast_in_dim3A_18 : vector<16xf32> to vector<16xf32>
    tpu.vector_store %arg13[%swap3A_19], %swap3A_22 {strides = array<i32>} : memref<640xf32, #tpu.memory_space<vmem>>, vector<16xf32>,
    %broadcast_in_dim3A_23 = arith.constant 0.000000e+00 : f32
    %broadcast_in_dim3A_24 = vector.broadcast %broadcast_in_dim3A_23 : f32 to vector<16xf32>
    %swap3A_25 = arith.constant 32 : index
    %swap3A_26 = tpu.vector_load %arg13[%swap3A_25] {strides = array<i32>} : memref<640xf32, #tpu.memory_space<vmem>>, vector<16xf32>,
    %swap3A_27 = vector.shape_cast %swap3A_26 : vector<16xf32> to vector<16xf32>
    %swap3A_28 = vector.shape_cast %broadcast_in_dim3A_24 : vector<16xf32> to vector<16xf32>
    tpu.vector_store %arg13[%swap3A_25], %swap3A_28 {strides = array<i32>} : memref<640xf32, #tpu.memory_space<vmem>>, vector<16xf32>,
    %broadcast_in_dim3A_29 = arith.constant 0.000000e+00 : f32
    %broadcast_in_dim3A_30 = vector.broadcast %broadcast_in_dim3A_29 : f32 to vector<16xf32>
    %swap3A_31 = arith.constant 48 : index
    %swap3A_32 = tpu.vector_load %arg13[%swap3A_31] {strides = array<i32>} : memref<640xf32, #tpu.memory_space<vmem>>, vector<16xf32>,
    %swap3A_33 = vector.shape_cast %swap3A_32 : vector<16xf32> to vector<16xf32>
    %swap3A_34 = vector.shape_cast %broadcast_in_dim3A_30 : vector<16xf32> to vector<16xf32>
    tpu.vector_store %arg13[%swap3A_31], %swap3A_34 {strides = array<i32>} : memref<640xf32, #tpu.memory_space<vmem>>, vector<16xf32>,
    %broadcast_in_dim3A_35 = arith.constant 0.000000e+00 : f32
    %broadcast_in_dim3A_36 = vector.broadcast %broadcast_in_dim3A_35 : f32 to vector<16xf32>
    %swap3A_37 = arith.constant 64 : index
    %swap3A_38 = tpu.vector_load %arg13[%swap3A_37] {strides = array<i32>} : memref<640xf32, #tpu.memory_space<vmem>>, vector<16xf32>,
    %swap3A_39 = vector.shape_cast %swap3A_38 : vector<16xf32> to vector<16xf32>
    %swap3A_40 = vector.shape_cast %broadcast_in_dim3A_36 : vector<16xf32> to vector<16xf32>
    tpu.vector_store %arg13[%swap3A_37], %swap3A_40 {strides = array<i32>} : memref<640xf32, #tpu.memory_space<vmem>>, vector<16xf32>,
    %broadcast_in_dim3A_41 = arith.constant 0.000000e+00 : f32
    %broadcast_in_dim3A_42 = vector.broadcast %broadcast_in_dim3A_41 : f32 to vector<16xf32>
    %swap3A_43 = arith.constant 80 : index
    %swap3A_44 = tpu.vector_load %arg13[%swap3A_43] {strides = array<i32>} : memref<640xf32, #tpu.memory_space<vmem>>, vector<16xf32>,
    %swap3A_45 = vector.shape_cast %swap3A_44 : vector<16xf32> to vector<16xf32>
    %swap3A_46 = vector.shape_cast %broadcast_in_dim3A_42 : vector<16xf32> to vector<16xf32>
    tpu.vector_store %arg13[%swap3A_43], %swap3A_46 {strides = array<i32>} : memref<640xf32, #tpu.memory_space<vmem>>, vector<16xf32>,
    %broadcast_in_dim3A_47 = arith.constant 0.000000e+00 : f32
    %broadcast_in_dim3A_48 = vector.broadcast %broadcast_in_dim3A_47 : f32 to vector<16xf32>
    %swap3A_49 = arith.constant 96 : index
    %swap3A_50 = tpu.vector_load %arg13[%swap3A_49] {strides = array<i32>} : memref<640xf32, #tpu.memory_space<vmem>>, vector<16xf32>,
    %swap3A_51 = vector.shape_cast %swap3A_50 : vector<16xf32> to vector<16xf32>
    %swap3A_52 = vector.shape_cast %broadcast_in_dim3A_48 : vector<16xf32> to vector<16xf32>
    tpu.vector_store %arg13[%swap3A_49], %swap3A_52 {strides = array<i32>} : memref<640xf32, #tpu.memory_space<vmem>>, vector<16xf32>,
    %broadcast_in_dim3A_53 = arith.constant 0.000000e+00 : f32
    %broadcast_in_dim3A_54 = vector.broadcast %broadcast_in_dim3A_53 : f32 to vector<16xf32>
    %swap3A_55 = arith.constant 112 : index
    %swap3A_56 = tpu.vector_load %arg13[%swap3A_55] {strides = array<i32>} : memref<640xf32, #tpu.memory_space<vmem>>, vector<16xf32>,
    %swap3A_57 = vector.shape_cast %swap3A_56 : vector<16xf32> to vector<16xf32>
    %swap3A_58 = vector.shape_cast %broadcast_in_dim3A_54 : vector<16xf32> to vector<16xf32>
    tpu.vector_store %arg13[%swap3A_55], %swap3A_58 {strides = array<i32>} : memref<640xf32, #tpu.memory_space<vmem>>, vector<16xf32>,
    %broadcast_in_dim3A_59 = arith.constant 0.000000e+00 : f32
    %broadcast_in_dim3A_60 = vector.broadcast %broadcast_in_dim3A_59 : f32 to vector<16xf32>
    %swap3A_61 = arith.constant 128 : index
    %swap3A_62 = tpu.vector_load %arg13[%swap3A_61] {strides = array<i32>} : memref<640xf32, #tpu.memory_space<vmem>>, vector<16xf32>,
    %swap3A_63 = vector.shape_cast %swap3A_62 : vector<16xf32> to vector<16xf32>
    %swap3A_64 = vector.shape_cast %broadcast_in_dim3A_60 : vector<16xf32> to vector<16xf32>
    tpu.vector_store %arg13[%swap3A_61], %swap3A_64 {strides = array<i32>} : memref<640xf32, #tpu.memory_space<vmem>>, vector<16xf32>,
    %broadcast_in_dim3A_65 = arith.constant 0.000000e+00 : f32
    %broadcast_in_dim3A_66 = vector.broadcast %broadcast_in_dim3A_65 : f32 to vector<16xf32>
    %swap3A_67 = arith.constant 144 : index
    %swap3A_68 = tpu.vector_load %arg13[%swap3A_67] {strides = array<i32>} : memref<640xf32, #tpu.memory_space<vmem>>, vector<16xf32>,
    %swap3A_69 = vector.shape_cast %swap3A_68 : vector<16xf32> to vector<16xf32>
    %swap3A_70 = vector.shape_cast %broadcast_in_dim3A_66 : vector<16xf32> to vector<16xf32>
    tpu.vector_store %arg13[%swap3A_67], %swap3A_70 {strides = array<i32>} : memref<640xf32, #tpu.memory_space<vmem>>, vector<16xf32>,
    %broadcast_in_dim3A_71 = arith.constant 0.000000e+00 : f32
    %broadcast_in_dim3A_72 = vector.broadcast %broadcast_in_dim3A_71 : f32 to vector<16xf32>
    %swap3A_73 = arith.constant 160 : index
    %swap3A_74 = tpu.vector_load %arg13[%swap3A_73] {strides = array<i32>} : memref<640xf32, #tpu.memory_space<vmem>>, vector<16xf32>,
    %swap3A_75 = vector.shape_cast %swap3A_74 : vector<16xf32> to vector<16xf32>
    %swap3A_76 = vector.shape_cast %broadcast_in_dim3A_72 : vector<16xf32> to vector<16xf32>
    tpu.vector_store %arg13[%swap3A_73], %swap3A_76 {strides = array<i32>} : memref<640xf32, #tpu.memory_space<vmem>>, vector<16xf32>,
    %broadcast_in_dim3A_77 = arith.constant 0.000000e+00 : f32
    %broadcast_in_dim3A_78 = vector.broadcast %broadcast_in_dim3A_77 : f32 to vector<16xf32>
    %swap3A_79 = arith.constant 176 : index
    %swap3A_80 = tpu.vector_load %arg13[%swap3A_79] {strides = array<i32>} : memref<640xf32, #tpu.memory_space<vmem>>, vector<16xf32>,
    %swap3A_81 = vector.shape_cast %swap3A_80 : vector<16xf32> to vector<16xf32>
    %swap3A_82 = vector.shape_cast %broadcast_in_dim3A_78 : vector<16xf32> to vector<16xf32>
    tpu.vector_store %arg13[%swap3A_79], %swap3A_82 {strides = array<i32>} : memref<640xf32, #tpu.memory_space<vmem>>, vector<16xf32>,
    %broadcast_in_dim3A_83 = arith.constant 0.000000e+00 : f32
    %broadcast_in_dim3A_84 = vector.broadcast %broadcast_in_dim3A_83 : f32 to vector<16xf32>
    %swap3A_85 = arith.constant 192 : index
    %swap3A_86 = tpu.vector_load %arg13[%swap3A_85] {strides = array<i32>} : memref<640xf32, #tpu.memory_space<vmem>>, vector<16xf32>,
    %swap3A_87 = vector.shape_cast %swap3A_86 : vector<16xf32> to vector<16xf32>
    %swap3A_88 = vector.shape_cast %broadcast_in_dim3A_84 : vector<16xf32> to vector<16xf32>
    tpu.vector_store %arg13[%swap3A_85], %swap3A_88 {strides = array<i32>} : memref<640xf32, #tpu.memory_space<vmem>>, vector<16xf32>,
    %broadcast_in_dim3A_89 = arith.constant 0.000000e+00 : f32
    %broadcast_in_dim3A_90 = vector.broadcast %broadcast_in_dim3A_89 : f32 to vector<16xf32>
    %swap3A_91 = arith.constant 208 : index
    %swap3A_92 = tpu.vector_load %arg13[%swap3A_91] {strides = array<i32>} : memref<640xf32, #tpu.memory_space<vmem>>, vector<16xf32>,
    %swap3A_93 = vector.shape_cast %swap3A_92 : vector<16xf32> to vector<16xf32>
    %swap3A_94 = vector.shape_cast %broadcast_in_dim3A_90 : vector<16xf32> to vector<16xf32>
    tpu.vector_store %arg13[%swap3A_91], %swap3A_94 {strides = array<i32>} : memref<640xf32, #tpu.memory_space<vmem>>, vector<16xf32>,
    %broadcast_in_dim3A_95 = arith.constant 0.000000e+00 : f32
    %broadcast_in_dim3A_96 = vector.broadcast %broadcast_in_dim3A_95 : f32 to vector<16xf32>
    %swap3A_97 = arith.constant 224 : index
    %swap3A_98 = tpu.vector_load %arg13[%swap3A_97] {strides = array<i32>} : memref<640xf32, #tpu.memory_space<vmem>>, vector<16xf32>,
    %swap3A_99 = vector.shape_cast %swap3A_98 : vector<16xf32> to vector<16xf32>
    %swap3A_100 = vector.shape_cast %broadcast_in_dim3A_96 : vector<16xf32> to vector<16xf32>
    tpu.vector_store %arg13[%swap3A_97], %swap3A_100 {strides = array<i32>} : memref<640xf32, #tpu.memory_space<vmem>>, vector<16xf32>,
    %broadcast_in_dim3A_101 = arith.constant 0.000000e+00 : f32
    %broadcast_in_dim3A_102 = vector.broadcast %broadcast_in_dim3A_101 : f32 to vector<16xf32>
    %swap3A_103 = arith.constant 240 : index
    %swap3A_104 = tpu.vector_load %arg13[%swap3A_103] {strides = array<i32>} : memref<640xf32, #tpu.memory_space<vmem>>, vector<16xf32>,
    %swap3A_105 = vector.shape_cast %swap3A_104 : vector<16xf32> to vector<16xf32>
    %swap3A_106 = vector.shape_cast %broadcast_in_dim3A_102 : vector<16xf32> to vector<16xf32>
    tpu.vector_store %arg13[%swap3A_103], %swap3A_106 {strides = array<i32>} : memref<640xf32, #tpu.memory_space<vmem>>, vector<16xf32>,
    %broadcast_in_dim3A_107 = arith.constant 0.000000e+00 : f32
    %broadcast_in_dim3A_108 = vector.broadcast %broadcast_in_dim3A_107 : f32 to vector<16xf32>
    %swap3A_109 = arith.constant 256 : index
    %swap3A_110 = tpu.vector_load %arg13[%swap3A_109] {strides = array<i32>} : memref<640xf32, #tpu.memory_space<vmem>>, vector<16xf32>,
    %swap3A_111 = vector.shape_cast %swap3A_110 : vector<16xf32> to vector<16xf32>
    %swap3A_112 = vector.shape_cast %broadcast_in_dim3A_108 : vector<16xf32> to vector<16xf32>
    tpu.vector_store %arg13[%swap3A_109], %swap3A_112 {strides = array<i32>} : memref<640xf32, #tpu.memory_space<vmem>>, vector<16xf32>,
    %broadcast_in_dim3A_113 = arith.constant 0.000000e+00 : f32
    %broadcast_in_dim3A_114 = vector.broadcast %broadcast_in_dim3A_113 : f32 to vector<16xf32>
    %swap3A_115 = arith.constant 272 : index
    %swap3A_116 = tpu.vector_load %arg13[%swap3A_115] {strides = array<i32>} : memref<640xf32, #tpu.memory_space<vmem>>, vector<16xf32>,
    %swap3A_117 = vector.shape_cast %swap3A_116 : vector<16xf32> to vector<16xf32>
    %swap3A_118 = vector.shape_cast %broadcast_in_dim3A_114 : vector<16xf32> to vector<16xf32>
    tpu.vector_store %arg13[%swap3A_115], %swap3A_118 {strides = array<i32>} : memref<640xf32, #tpu.memory_space<vmem>>, vector<16xf32>,
    %broadcast_in_dim3A_119 = arith.constant 0.000000e+00 : f32
    %broadcast_in_dim3A_120 = vector.broadcast %broadcast_in_dim3A_119 : f32 to vector<16xf32>
    %swap3A_121 = arith.constant 288 : index
    %swap3A_122 = tpu.vector_load %arg13[%swap3A_121] {strides = array<i32>} : memref<640xf32, #tpu.memory_space<vmem>>, vector<16xf32>,
    %swap3A_123 = vector.shape_cast %swap3A_122 : vector<16xf32> to vector<16xf32>
    %swap3A_124 = vector.shape_cast %broadcast_in_dim3A_120 : vector<16xf32> to vector<16xf32>
    tpu.vector_store %arg13[%swap3A_121], %swap3A_124 {strides = array<i32>} : memref<640xf32, #tpu.memory_space<vmem>>, vector<16xf32>,
    %broadcast_in_dim3A_125 = arith.constant 0.000000e+00 : f32
    %broadcast_in_dim3A_126 = vector.broadcast %broadcast_in_dim3A_125 : f32 to vector<16xf32>
    %swap3A_127 = arith.constant 304 : index
    %swap3A_128 = tpu.vector_load %arg13[%swap3A_127] {strides = array<i32>} : memref<640xf32, #tpu.memory_space<vmem>>, vector<16xf32>,
    %swap3A_129 = vector.shape_cast %swap3A_128 : vector<16xf32> to vector<16xf32>
    %swap3A_130 = vector.shape_cast %broadcast_in_dim3A_126 : vector<16xf32> to vector<16xf32>
    tpu.vector_store %arg13[%swap3A_127], %swap3A_130 {strides = array<i32>} : memref<640xf32, #tpu.memory_space<vmem>>, vector<16xf32>,
    %broadcast_in_dim3A_131 = arith.constant 0.000000e+00 : f32
    %broadcast_in_dim3A_132 = vector.broadcast %broadcast_in_dim3A_131 : f32 to vector<16xf32>
    %swap3A_133 = arith.constant 320 : index
    %swap3A_134 = tpu.vector_load %arg13[%swap3A_133] {strides = array<i32>} : memref<640xf32, #tpu.memory_space<vmem>>, vector<16xf32>,
    %swap3A_135 = vector.shape_cast %swap3A_134 : vector<16xf32> to vector<16xf32>
    %swap3A_136 = vector.shape_cast %broadcast_in_dim3A_132 : vector<16xf32> to vector<16xf32>
    tpu.vector_store %arg13[%swap3A_133], %swap3A_136 {strides = array<i32>} : memref<640xf32, #tpu.memory_space<vmem>>, vector<16xf32>,
    %broadcast_in_dim3A_137 = arith.constant 0.000000e+00 : f32
    %broadcast_in_dim3A_138 = vector.broadcast %broadcast_in_dim3A_137 : f32 to vector<16xf32>
    %swap3A_139 = arith.constant 336 : index
    %swap3A_140 = tpu.vector_load %arg13[%swap3A_139] {strides = array<i32>} : memref<640xf32, #tpu.memory_space<vmem>>, vector<16xf32>,
    %swap3A_141 = vector.shape_cast %swap3A_140 : vector<16xf32> to vector<16xf32>
    %swap3A_142 = vector.shape_cast %broadcast_in_dim3A_138 : vector<16xf32> to vector<16xf32>
    tpu.vector_store %arg13[%swap3A_139], %swap3A_142 {strides = array<i32>} : memref<640xf32, #tpu.memory_space<vmem>>, vector<16xf32>,
    %broadcast_in_dim3A_143 = arith.constant 0.000000e+00 : f32
    %broadcast_in_dim3A_144 = vector.broadcast %broadcast_in_dim3A_143 : f32 to vector<16xf32>
    %swap3A_145 = arith.constant 352 : index
    %swap3A_146 = tpu.vector_load %arg13[%swap3A_145] {strides = array<i32>} : memref<640xf32, #tpu.memory_space<vmem>>, vector<16xf32>,
    %swap3A_147 = vector.shape_cast %swap3A_146 : vector<16xf32> to vector<16xf32>
    %swap3A_148 = vector.shape_cast %broadcast_in_dim3A_144 : vector<16xf32> to vector<16xf32>
    tpu.vector_store %arg13[%swap3A_145], %swap3A_148 {strides = array<i32>} : memref<640xf32, #tpu.memory_space<vmem>>, vector<16xf32>,
    %broadcast_in_dim3A_149 = arith.constant 0.000000e+00 : f32
    %broadcast_in_dim3A_150 = vector.broadcast %broadcast_in_dim3A_149 : f32 to vector<16xf32>
    %swap3A_151 = arith.constant 368 : index
    %swap3A_152 = tpu.vector_load %arg13[%swap3A_151] {strides = array<i32>} : memref<640xf32, #tpu.memory_space<vmem>>, vector<16xf32>,
    %swap3A_153 = vector.shape_cast %swap3A_152 : vector<16xf32> to vector<16xf32>
    %swap3A_154 = vector.shape_cast %broadcast_in_dim3A_150 : vector<16xf32> to vector<16xf32>
    tpu.vector_store %arg13[%swap3A_151], %swap3A_154 {strides = array<i32>} : memref<640xf32, #tpu.memory_space<vmem>>, vector<16xf32>,
    %broadcast_in_dim3A_155 = arith.constant 0.000000e+00 : f32
    %broadcast_in_dim3A_156 = vector.broadcast %broadcast_in_dim3A_155 : f32 to vector<16xf32>
    %swap3A_157 = arith.constant 384 : index
    %swap3A_158 = tpu.vector_load %arg13[%swap3A_157] {strides = array<i32>} : memref<640xf32, #tpu.memory_space<vmem>>, vector<16xf32>,
    %swap3A_159 = vector.shape_cast %swap3A_158 : vector<16xf32> to vector<16xf32>
    %swap3A_160 = vector.shape_cast %broadcast_in_dim3A_156 : vector<16xf32> to vector<16xf32>
    tpu.vector_store %arg13[%swap3A_157], %swap3A_160 {strides = array<i32>} : memref<640xf32, #tpu.memory_space<vmem>>, vector<16xf32>,
    %broadcast_in_dim3A_161 = arith.constant 0.000000e+00 : f32
    %broadcast_in_dim3A_162 = vector.broadcast %broadcast_in_dim3A_161 : f32 to vector<16xf32>
    %swap3A_163 = arith.constant 400 : index
    %swap3A_164 = tpu.vector_load %arg13[%swap3A_163] {strides = array<i32>} : memref<640xf32, #tpu.memory_space<vmem>>, vector<16xf32>,
    %swap3A_165 = vector.shape_cast %swap3A_164 : vector<16xf32> to vector<16xf32>
    %swap3A_166 = vector.shape_cast %broadcast_in_dim3A_162 : vector<16xf32> to vector<16xf32>
    tpu.vector_store %arg13[%swap3A_163], %swap3A_166 {strides = array<i32>} : memref<640xf32, #tpu.memory_space<vmem>>, vector<16xf32>,
    %broadcast_in_dim3A_167 = arith.constant 0.000000e+00 : f32
    %broadcast_in_dim3A_168 = vector.broadcast %broadcast_in_dim3A_167 : f32 to vector<16xf32>
    %swap3A_169 = arith.constant 416 : index
    %swap3A_170 = tpu.vector_load %arg13[%swap3A_169] {strides = array<i32>} : memref<640xf32, #tpu.memory_space<vmem>>, vector<16xf32>,
    %swap3A_171 = vector.shape_cast %swap3A_170 : vector<16xf32> to vector<16xf32>
    %swap3A_172 = vector.shape_cast %broadcast_in_dim3A_168 : vector<16xf32> to vector<16xf32>
    tpu.vector_store %arg13[%swap3A_169], %swap3A_172 {strides = array<i32>} : memref<640xf32, #tpu.memory_space<vmem>>, vector<16xf32>,
    %broadcast_in_dim3A_173 = arith.constant 0.000000e+00 : f32
    %broadcast_in_dim3A_174 = vector.broadcast %broadcast_in_dim3A_173 : f32 to vector<16xf32>
    %swap3A_175 = arith.constant 432 : index
    %swap3A_176 = tpu.vector_load %arg13[%swap3A_175] {strides = array<i32>} : memref<640xf32, #tpu.memory_space<vmem>>, vector<16xf32>,
    %swap3A_177 = vector.shape_cast %swap3A_176 : vector<16xf32> to vector<16xf32>
    %swap3A_178 = vector.shape_cast %broadcast_in_dim3A_174 : vector<16xf32> to vector<16xf32>
    tpu.vector_store %arg13[%swap3A_175], %swap3A_178 {strides = array<i32>} : memref<640xf32, #tpu.memory_space<vmem>>, vector<16xf32>,
    %broadcast_in_dim3A_179 = arith.constant 0.000000e+00 : f32
    %broadcast_in_dim3A_180 = vector.broadcast %broadcast_in_dim3A_179 : f32 to vector<16xf32>
    %swap3A_181 = arith.constant 448 : index
    %swap3A_182 = tpu.vector_load %arg13[%swap3A_181] {strides = array<i32>} : memref<640xf32, #tpu.memory_space<vmem>>, vector<16xf32>,
    %swap3A_183 = vector.shape_cast %swap3A_182 : vector<16xf32> to vector<16xf32>
    %swap3A_184 = vector.shape_cast %broadcast_in_dim3A_180 : vector<16xf32> to vector<16xf32>
    tpu.vector_store %arg13[%swap3A_181], %swap3A_184 {strides = array<i32>} : memref<640xf32, #tpu.memory_space<vmem>>, vector<16xf32>,
    %broadcast_in_dim3A_185 = arith.constant 0.000000e+00 : f32
    %broadcast_in_dim3A_186 = vector.broadcast %broadcast_in_dim3A_185 : f32 to vector<16xf32>
    %swap3A_187 = arith.constant 464 : index
    %swap3A_188 = tpu.vector_load %arg13[%swap3A_187] {strides = array<i32>} : memref<640xf32, #tpu.memory_space<vmem>>, vector<16xf32>,
    %swap3A_189 = vector.shape_cast %swap3A_188 : vector<16xf32> to vector<16xf32>
    %swap3A_190 = vector.shape_cast %broadcast_in_dim3A_186 : vector<16xf32> to vector<16xf32>
    tpu.vector_store %arg13[%swap3A_187], %swap3A_190 {strides = array<i32>} : memref<640xf32, #tpu.memory_space<vmem>>, vector<16xf32>,
    %broadcast_in_dim3A_191 = arith.constant 0.000000e+00 : f32
    %broadcast_in_dim3A_192 = vector.broadcast %broadcast_in_dim3A_191 : f32 to vector<16xf32>
    %swap3A_193 = arith.constant 480 : index
    %swap3A_194 = tpu.vector_load %arg13[%swap3A_193] {strides = array<i32>} : memref<640xf32, #tpu.memory_space<vmem>>, vector<16xf32>,
    %swap3A_195 = vector.shape_cast %swap3A_194 : vector<16xf32> to vector<16xf32>
    %swap3A_196 = vector.shape_cast %broadcast_in_dim3A_192 : vector<16xf32> to vector<16xf32>
    tpu.vector_store %arg13[%swap3A_193], %swap3A_196 {strides = array<i32>} : memref<640xf32, #tpu.memory_space<vmem>>, vector<16xf32>,
    %broadcast_in_dim3A_197 = arith.constant 0.000000e+00 : f32
    %broadcast_in_dim3A_198 = vector.broadcast %broadcast_in_dim3A_197 : f32 to vector<16xf32>
    %swap3A_199 = arith.constant 496 : index
    %swap3A_200 = tpu.vector_load %arg13[%swap3A_199] {strides = array<i32>} : memref<640xf32, #tpu.memory_space<vmem>>, vector<16xf32>,
    %swap3A_201 = vector.shape_cast %swap3A_200 : vector<16xf32> to vector<16xf32>
    %swap3A_202 = vector.shape_cast %broadcast_in_dim3A_198 : vector<16xf32> to vector<16xf32>
    tpu.vector_store %arg13[%swap3A_199], %swap3A_202 {strides = array<i32>} : memref<640xf32, #tpu.memory_space<vmem>>, vector<16xf32>,
    %broadcast_in_dim3A_203 = arith.constant 0.000000e+00 : f32
    %broadcast_in_dim3A_204 = vector.broadcast %broadcast_in_dim3A_203 : f32 to vector<16xf32>
    %swap3A_205 = arith.constant 512 : index
    %swap3A_206 = tpu.vector_load %arg13[%swap3A_205] {strides = array<i32>} : memref<640xf32, #tpu.memory_space<vmem>>, vector<16xf32>,
    %swap3A_207 = vector.shape_cast %swap3A_206 : vector<16xf32> to vector<16xf32>
    %swap3A_208 = vector.shape_cast %broadcast_in_dim3A_204 : vector<16xf32> to vector<16xf32>
    tpu.vector_store %arg13[%swap3A_205], %swap3A_208 {strides = array<i32>} : memref<640xf32, #tpu.memory_space<vmem>>, vector<16xf32>,
    %broadcast_in_dim3A_209 = arith.constant 0.000000e+00 : f32
    %broadcast_in_dim3A_210 = vector.broadcast %broadcast_in_dim3A_209 : f32 to vector<16xf32>
    %swap3A_211 = arith.constant 528 : index
    %swap3A_212 = tpu.vector_load %arg13[%swap3A_211] {strides = array<i32>} : memref<640xf32, #tpu.memory_space<vmem>>, vector<16xf32>,
    %swap3A_213 = vector.shape_cast %swap3A_212 : vector<16xf32> to vector<16xf32>
    %swap3A_214 = vector.shape_cast %broadcast_in_dim3A_210 : vector<16xf32> to vector<16xf32>
    tpu.vector_store %arg13[%swap3A_211], %swap3A_214 {strides = array<i32>} : memref<640xf32, #tpu.memory_space<vmem>>, vector<16xf32>,
    %broadcast_in_dim3A_215 = arith.constant 0.000000e+00 : f32
    %broadcast_in_dim3A_216 = vector.broadcast %broadcast_in_dim3A_215 : f32 to vector<16xf32>
    %swap3A_217 = arith.constant 544 : index
    %swap3A_218 = tpu.vector_load %arg13[%swap3A_217] {strides = array<i32>} : memref<640xf32, #tpu.memory_space<vmem>>, vector<16xf32>,
    %swap3A_219 = vector.shape_cast %swap3A_218 : vector<16xf32> to vector<16xf32>
    %swap3A_220 = vector.shape_cast %broadcast_in_dim3A_216 : vector<16xf32> to vector<16xf32>
    tpu.vector_store %arg13[%swap3A_217], %swap3A_220 {strides = array<i32>} : memref<640xf32, #tpu.memory_space<vmem>>, vector<16xf32>,
    %broadcast_in_dim3A_221 = arith.constant 0.000000e+00 : f32
    %broadcast_in_dim3A_222 = vector.broadcast %broadcast_in_dim3A_221 : f32 to vector<16xf32>
    %swap3A_223 = arith.constant 560 : index
    %swap3A_224 = tpu.vector_load %arg13[%swap3A_223] {strides = array<i32>} : memref<640xf32, #tpu.memory_space<vmem>>, vector<16xf32>,
    %swap3A_225 = vector.shape_cast %swap3A_224 : vector<16xf32> to vector<16xf32>
    %swap3A_226 = vector.shape_cast %broadcast_in_dim3A_222 : vector<16xf32> to vector<16xf32>
    tpu.vector_store %arg13[%swap3A_223], %swap3A_226 {strides = array<i32>} : memref<640xf32, #tpu.memory_space<vmem>>, vector<16xf32>,
    %broadcast_in_dim3A_227 = arith.constant 0.000000e+00 : f32
    %broadcast_in_dim3A_228 = vector.broadcast %broadcast_in_dim3A_227 : f32 to vector<16xf32>
    %swap3A_229 = arith.constant 576 : index
    %swap3A_230 = tpu.vector_load %arg13[%swap3A_229] {strides = array<i32>} : memref<640xf32, #tpu.memory_space<vmem>>, vector<16xf32>,
    %swap3A_231 = vector.shape_cast %swap3A_230 : vector<16xf32> to vector<16xf32>
    %swap3A_232 = vector.shape_cast %broadcast_in_dim3A_228 : vector<16xf32> to vector<16xf32>
    tpu.vector_store %arg13[%swap3A_229], %swap3A_232 {strides = array<i32>} : memref<640xf32, #tpu.memory_space<vmem>>, vector<16xf32>,
    %broadcast_in_dim3A_233 = arith.constant 0.000000e+00 : f32
    %broadcast_in_dim3A_234 = vector.broadcast %broadcast_in_dim3A_233 : f32 to vector<16xf32>
    %swap3A_235 = arith.constant 592 : index
    %swap3A_236 = tpu.vector_load %arg13[%swap3A_235] {strides = array<i32>} : memref<640xf32, #tpu.memory_space<vmem>>, vector<16xf32>,
    %swap3A_237 = vector.shape_cast %swap3A_236 : vector<16xf32> to vector<16xf32>
    %swap3A_238 = vector.shape_cast %broadcast_in_dim3A_234 : vector<16xf32> to vector<16xf32>
    tpu.vector_store %arg13[%swap3A_235], %swap3A_238 {strides = array<i32>} : memref<640xf32, #tpu.memory_space<vmem>>, vector<16xf32>,
    %broadcast_in_dim3A_239 = arith.constant 0.000000e+00 : f32
    %broadcast_in_dim3A_240 = vector.broadcast %broadcast_in_dim3A_239 : f32 to vector<16xf32>
    %swap3A_241 = arith.constant 608 : index
    %swap3A_242 = tpu.vector_load %arg13[%swap3A_241] {strides = array<i32>} : memref<640xf32, #tpu.memory_space<vmem>>, vector<16xf32>,
    %swap3A_243 = vector.shape_cast %swap3A_242 : vector<16xf32> to vector<16xf32>
    %swap3A_244 = vector.shape_cast %broadcast_in_dim3A_240 : vector<16xf32> to vector<16xf32>
    tpu.vector_store %arg13[%swap3A_241], %swap3A_244 {strides = array<i32>} : memref<640xf32, #tpu.memory_space<vmem>>, vector<16xf32>,
    %broadcast_in_dim3A_245 = arith.constant 0.000000e+00 : f32
    %broadcast_in_dim3A_246 = vector.broadcast %broadcast_in_dim3A_245 : f32 to vector<16xf32>
    %swap3A_247 = arith.constant 624 : index
    %swap3A_248 = tpu.vector_load %arg13[%swap3A_247] {strides = array<i32>} : memref<640xf32, #tpu.memory_space<vmem>>, vector<16xf32>,
    %swap3A_249 = vector.shape_cast %swap3A_248 : vector<16xf32> to vector<16xf32>
    %swap3A_250 = vector.shape_cast %broadcast_in_dim3A_246 : vector<16xf32> to vector<16xf32>
    tpu.vector_store %arg13[%swap3A_247], %swap3A_250 {strides = array<i32>} : memref<640xf32, #tpu.memory_space<vmem>>, vector<16xf32>,
    "tpu.region"() ({
      %run_scoped3A = tpu.sem_alloc : memref<!tpu.dma_semaphore, #tpu.memory_space<semaphore_mem>>
      %dma_start3A = tpu.memref_slice %arg9[%mul3A_2] : memref<10240xf32, #tpu.memory_space<vmem_shared>> -> memref<640xf32, #tpu.memory_space<vmem_shared>>
      %dma_start3A_267 = tpu.memref_slice %arg9[%mul3A_2] : memref<10240xf32, #tpu.memory_space<vmem_shared>> -> memref<640xf32, #tpu.memory_space<vmem_shared>>
      tpu.enqueue_dma source(%arg13 : memref<640xf32, #tpu.memory_space<vmem>>) target(%dma_start3A_267 : memref<640xf32, #tpu.memory_space<vmem_shared>>) target_semaphore(%run_scoped3A : memref<!tpu.dma_semaphore, #tpu.memory_space<semaphore_mem>>)
      %dma_wait3A = tpu.memref_slice %arg9[%mul3A_2] : memref<10240xf32, #tpu.memory_space<vmem_shared>> -> memref<640xf32, #tpu.memory_space<vmem_shared>>
      %dma_wait3A_268 = tpu.memref_slice %arg9[%mul3A_2] : memref<10240xf32, #tpu.memory_space<vmem_shared>> -> memref<640xf32, #tpu.memory_space<vmem_shared>>
      tpu.wait_dma2 semaphore(%run_scoped3A : memref<!tpu.dma_semaphore, #tpu.memory_space<semaphore_mem>>) src(%arg13 : memref<640xf32, #tpu.memory_space<vmem>>) dst(%dma_wait3A_268 : memref<640xf32, #tpu.memory_space<vmem_shared>>)
      tpu.yield
    }) : () -> ()
    %barrier3A = arith.constant 0 : index
    tpu.barrier barrier_id(%barrier3A)
    %scan3A = arith.constant 0 : i32
    %scan3A_251 = arith.constant 0 : i32
    %scan3A_252 = arith.constant 79 : i32
    %scan3A_253 = arith.addi %scan3A_251, %scan3A_252 : i32
    %scan3A_254 = arith.constant 1 : i32
    scf.for %scan3A_267 = %scan3A_251 to %scan3A_253 step %scan3A_254  : i32 {
      %mul3A_268 = arith.constant 2 : i32
      %mul3A_269 = arith.muli %scan3A_267, %mul3A_268 : i32
      %mul3A_270 = arith.constant 128 : i32
      %mul3A_271 = arith.muli %mul3A_269, %mul3A_270 : i32
      "tpu.region"() ({
        %run_scoped3A = tpu.sem_alloc : memref<!tpu.dma_semaphore, #tpu.memory_space<semaphore_mem>>
        %dma_start3A_306 = arith.constant 0 : i32
        %dma_start3A_307 = tpu.memref_slice %arg3[%add3A, %dma_start3A_306] : memref<32x20224xi32, #tpu.memory_space<hbm>> -> memref<1x20224xi32, #tpu.memory_space<hbm>>
        %dma_start3A_308 = tpu.memref_squeeze %dma_start3A_307 : memref<1x20224xi32, #tpu.memory_space<hbm>> -> memref<20224xi32, #tpu.memory_space<hbm>>
        %dma_start3A_309 = tpu.memref_slice %dma_start3A_308[%mul3A_271] : memref<20224xi32, #tpu.memory_space<hbm>> -> memref<256xi32, #tpu.memory_space<hbm>>
        %dma_start3A_310 = arith.constant 0 : i32
        %dma_start3A_311 = tpu.memref_slice %arg3[%add3A, %dma_start3A_310] : memref<32x20224xi32, #tpu.memory_space<hbm>> -> memref<1x20224xi32, #tpu.memory_space<hbm>>
        %dma_start3A_312 = tpu.memref_squeeze %dma_start3A_311 : memref<1x20224xi32, #tpu.memory_space<hbm>> -> memref<20224xi32, #tpu.memory_space<hbm>>
        %dma_start3A_313 = tpu.memref_slice %dma_start3A_312[%mul3A_271] : memref<20224xi32, #tpu.memory_space<hbm>> -> memref<256xi32, #tpu.memory_space<hbm>>
        tpu.enqueue_dma source(%dma_start3A_313 : memref<256xi32, #tpu.memory_space<hbm>>) target(%arg10 : memref<256xi32, #tpu.memory_space<vmem>>) target_semaphore(%run_scoped3A : memref<!tpu.dma_semaphore, #tpu.memory_space<semaphore_mem>>)
        %dma_wait3A_314 = arith.constant 0 : i32
        %dma_wait3A_315 = tpu.memref_slice %arg3[%add3A, %dma_wait3A_314] : memref<32x20224xi32, #tpu.memory_space<hbm>> -> memref<1x20224xi32, #tpu.memory_space<hbm>>
        %dma_wait3A_316 = tpu.memref_squeeze %dma_wait3A_315 : memref<1x20224xi32, #tpu.memory_space<hbm>> -> memref<20224xi32, #tpu.memory_space<hbm>>
        %dma_wait3A_317 = tpu.memref_slice %dma_wait3A_316[%mul3A_271] : memref<20224xi32, #tpu.memory_space<hbm>> -> memref<256xi32, #tpu.memory_space<hbm>>
        %dma_wait3A_318 = arith.constant 0 : i32
        %dma_wait3A_319 = tpu.memref_slice %arg3[%add3A, %dma_wait3A_318] : memref<32x20224xi32, #tpu.memory_space<hbm>> -> memref<1x20224xi32, #tpu.memory_space<hbm>>
        %dma_wait3A_320 = tpu.memref_squeeze %dma_wait3A_319 : memref<1x20224xi32, #tpu.memory_space<hbm>> -> memref<20224xi32, #tpu.memory_space<hbm>>
        %dma_wait3A_321 = tpu.memref_slice %dma_wait3A_320[%mul3A_271] : memref<20224xi32, #tpu.memory_space<hbm>> -> memref<256xi32, #tpu.memory_space<hbm>>
        tpu.wait_dma2 semaphore(%run_scoped3A : memref<!tpu.dma_semaphore, #tpu.memory_space<semaphore_mem>>) src(%dma_wait3A_321 : memref<256xi32, #tpu.memory_space<hbm>>) dst(%arg10 : memref<256xi32, #tpu.memory_space<vmem>>)
        tpu.yield
      }) : () -> ()
      %mul3A_272 = arith.constant 128 : i32
      %mul3A_273 = arith.muli %scan3A_267, %mul3A_272 : i32
      %dma_start3A = arith.constant 0 : i32
      %dma_start3A_274 = tpu.memref_slice %arg4[%add3A, %dma_start3A] : memref<32x10112xf32, #tpu.memory_space<hbm>> -> memref<1x10112xf32, #tpu.memory_space<hbm>>
      %dma_start3A_275 = tpu.memref_squeeze %dma_start3A_274 : memref<1x10112xf32, #tpu.memory_space<hbm>> -> memref<10112xf32, #tpu.memory_space<hbm>>
      %dma_start3A_276 = tpu.memref_slice %dma_start3A_275[%mul3A_273] : memref<10112xf32, #tpu.memory_space<hbm>> -> memref<128xf32, #tpu.memory_space<hbm>>
      %dma_start3A_277 = arith.constant 0 : i32
      %dma_start3A_278 = tpu.memref_slice %arg4[%add3A, %dma_start3A_277] : memref<32x10112xf32, #tpu.memory_space<hbm>> -> memref<1x10112xf32, #tpu.memory_space<hbm>>
      %dma_start3A_279 = tpu.memref_squeeze %dma_start3A_278 : memref<1x10112xf32, #tpu.memory_space<hbm>> -> memref<10112xf32, #tpu.memory_space<hbm>>
      %dma_start3A_280 = tpu.memref_slice %dma_start3A_279[%mul3A_273] : memref<10112xf32, #tpu.memory_space<hbm>> -> memref<128xf32, #tpu.memory_space<hbm>>
      tpu.enqueue_dma source(%dma_start3A_280 : memref<128xf32, #tpu.memory_space<hbm>>) target(%arg11 : memref<128xf32, #tpu.memory_space<vmem>>) target_semaphore(%arg16 : memref<!tpu.dma_semaphore, #tpu.memory_space<semaphore_mem>>)
      %dma_start3A_281 = arith.constant 128 : i32
      %dma_start3A_282 = tpu.memref_slice %arg10[%dma_start3A_281] : memref<256xi32, #tpu.memory_space<vmem>> -> memref<128xi32, #tpu.memory_space<vmem>>
      %dma_start3A_283 = arith.constant 0 : i32
      %dma_start3A_284 = arith.constant 0 : i32
      %dma_start3A_285 = tpu.memref_slice %arg2[%dma_start3A_283, %dma_start3A_284] : memref<10000x128xf32, #tpu.memory_space<hbm>> -> memref<10000x128xf32, #tpu.memory_space<hbm>>
      tpu.enqueue_indirect_dma source(%dma_start3A_285 : memref<10000x128xf32, #tpu.memory_space<hbm>>) target(%arg12 : memref<128x128xf32, #tpu.memory_space<vmem>>) offsets(%dma_start3A_282 : memref<128xi32, #tpu.memory_space<vmem>>) semaphore(%arg14 : memref<!tpu.dma_semaphore, #tpu.memory_space<semaphore_mem>>)
      %dma_wait3A = arith.constant 128 : i32
      %dma_wait3A_286 = tpu.memref_slice %arg10[%dma_wait3A] : memref<256xi32, #tpu.memory_space<vmem>> -> memref<128xi32, #tpu.memory_space<vmem>>
      %dma_wait3A_287 = arith.constant 0 : i32
      %dma_wait3A_288 = arith.constant 0 : i32
      %dma_wait3A_289 = tpu.memref_slice %arg2[%dma_wait3A_287, %dma_wait3A_288] : memref<10000x128xf32, #tpu.memory_space<hbm>> -> memref<10000x128xf32, #tpu.memory_space<hbm>>
      tpu.wait_indirect_dma semaphore(%arg14 : memref<!tpu.dma_semaphore, #tpu.memory_space<semaphore_mem>>) src(%dma_wait3A_289 : memref<10000x128xf32, #tpu.memory_space<hbm>>) dst(%arg12 : memref<128x128xf32, #tpu.memory_space<vmem>>)
      %dma_wait3A_290 = arith.constant 0 : i32
      %dma_wait3A_291 = tpu.memref_slice %arg4[%add3A, %dma_wait3A_290] : memref<32x10112xf32, #tpu.memory_space<hbm>> -> memref<1x10112xf32, #tpu.memory_space<hbm>>
      %dma_wait3A_292 = tpu.memref_squeeze %dma_wait3A_291 : memref<1x10112xf32, #tpu.memory_space<hbm>> -> memref<10112xf32, #tpu.memory_space<hbm>>
      %dma_wait3A_293 = tpu.memref_slice %dma_wait3A_292[%mul3A_273] : memref<10112xf32, #tpu.memory_space<hbm>> -> memref<128xf32, #tpu.memory_space<hbm>>
      %dma_wait3A_294 = arith.constant 0 : i32
      %dma_wait3A_295 = tpu.memref_slice %arg4[%add3A, %dma_wait3A_294] : memref<32x10112xf32, #tpu.memory_space<hbm>> -> memref<1x10112xf32, #tpu.memory_space<hbm>>
      %dma_wait3A_296 = tpu.memref_squeeze %dma_wait3A_295 : memref<1x10112xf32, #tpu.memory_space<hbm>> -> memref<10112xf32, #tpu.memory_space<hbm>>
      %dma_wait3A_297 = tpu.memref_slice %dma_wait3A_296[%mul3A_273] : memref<10112xf32, #tpu.memory_space<hbm>> -> memref<128xf32, #tpu.memory_space<hbm>>
      tpu.wait_dma2 semaphore(%arg16 : memref<!tpu.dma_semaphore, #tpu.memory_space<semaphore_mem>>) src(%dma_wait3A_297 : memref<128xf32, #tpu.memory_space<hbm>>) dst(%arg11 : memref<128xf32, #tpu.memory_space<vmem>>)
      %dma_start3A_298 = arith.constant 0 : i32
      %dma_start3A_299 = tpu.memref_slice %arg10[%dma_start3A_298] : memref<256xi32, #tpu.memory_space<vmem>> -> memref<128xi32, #tpu.memory_space<vmem>>
      %dma_start3A_300 = arith.constant 0 : i32
      %dma_start3A_301 = tpu.memref_slice %arg9[%dma_start3A_300] : memref<10240xf32, #tpu.memory_space<vmem_shared>> -> memref<10240xf32, #tpu.memory_space<vmem_shared>>
      tpu.enqueue_indirect_dma source(%arg11 : memref<128xf32, #tpu.memory_space<vmem>>) target(%dma_start3A_301 : memref<10240xf32, #tpu.memory_space<vmem_shared>>) offsets(%dma_start3A_299 : memref<128xi32, #tpu.memory_space<vmem>>) semaphore(%arg15 : memref<!tpu.dma_semaphore, #tpu.memory_space<semaphore_mem>>) {add = true}
      "tpu.region"() ({
        %run_scoped3A = tpu.sem_alloc : memref<!tpu.dma_semaphore, #tpu.memory_space<semaphore_mem>>
        %dma_start3A_306 = arith.constant 0 : i32
        %dma_start3A_307 = tpu.memref_slice %arg10[%dma_start3A_306] : memref<256xi32, #tpu.memory_space<vmem>> -> memref<128xi32, #tpu.memory_space<vmem>>
        %dma_start3A_308 = arith.constant 0 : i32
        %dma_start3A_309 = arith.constant 0 : i32
        %dma_start3A_310 = tpu.memref_slice %arg8[%dma_start3A_308, %dma_start3A_309] : memref<10240x128xf32, #tpu.memory_space<vmem_shared>> -> memref<10240x128xf32, #tpu.memory_space<vmem_shared>>
        tpu.enqueue_indirect_dma source(%arg12 : memref<128x128xf32, #tpu.memory_space<vmem>>) target(%dma_start3A_310 : memref<10240x128xf32, #tpu.memory_space<vmem_shared>>) offsets(%dma_start3A_307 : memref<128xi32, #tpu.memory_space<vmem>>) semaphore(%run_scoped3A : memref<!tpu.dma_semaphore, #tpu.memory_space<semaphore_mem>>) {add = true}
        %dma_wait3A_311 = arith.constant 0 : i32
        %dma_wait3A_312 = tpu.memref_slice %arg10[%dma_wait3A_311] : memref<256xi32, #tpu.memory_space<vmem>> -> memref<128xi32, #tpu.memory_space<vmem>>
        %dma_wait3A_313 = arith.constant 0 : i32
        %dma_wait3A_314 = arith.constant 0 : i32
        %dma_wait3A_315 = tpu.memref_slice %arg8[%dma_wait3A_313, %dma_wait3A_314] : memref<10240x128xf32, #tpu.memory_space<vmem_shared>> -> memref<10240x128xf32, #tpu.memory_space<vmem_shared>>
        tpu.wait_indirect_dma semaphore(%run_scoped3A : memref<!tpu.dma_semaphore, #tpu.memory_space<semaphore_mem>>) src(%arg12 : memref<128x128xf32, #tpu.memory_space<vmem>>) dst(%dma_wait3A_315 : memref<10240x128xf32, #tpu.memory_space<vmem_shared>>)
        tpu.yield
      }) : () -> ()
      %dma_wait3A_302 = arith.constant 0 : i32
      %dma_wait3A_303 = tpu.memref_slice %arg10[%dma_wait3A_302] : memref<256xi32, #tpu.memory_space<vmem>> -> memref<128xi32, #tpu.memory_space<vmem>>
      %dma_wait3A_304 = arith.constant 0 : i32
      %dma_wait3A_305 = tpu.memref_slice %arg9[%dma_wait3A_304] : memref<10240xf32, #tpu.memory_space<vmem_shared>> -> memref<10240xf32, #tpu.memory_space<vmem_shared>>
      tpu.wait_indirect_dma semaphore(%arg15 : memref<!tpu.dma_semaphore, #tpu.memory_space<semaphore_mem>>) src(%arg11 : memref<128xf32, #tpu.memory_space<vmem>>) dst(%dma_wait3A_305 : memref<10240xf32, #tpu.memory_space<vmem_shared>>)
    }
    %scan3A_255 = arith.constant 79 : i32
    %barrier3A_256 = arith.constant 0 : index
    tpu.barrier barrier_id(%barrier3A_256)
    %add3A_257 = arith.constant 0 : i32
    %add3A_258 = arith.addi %mul3A_2, %add3A_257 : i32
    "tpu.region"() ({
      %run_scoped3A = tpu.sem_alloc : memref<!tpu.dma_semaphore, #tpu.memory_space<semaphore_mem>>
      %dma_start3A = arith.constant 0 : i32
      %dma_start3A_267 = arith.constant 0 : i32
      %dma_start3A_268 = tpu.memref_slice %arg12[%dma_start3A, %dma_start3A_267] : memref<128x128xf32, #tpu.memory_space<vmem>> -> memref<128x128xf32, #tpu.memory_space<vmem>>
      %dma_start3A_269 = arith.constant 0 : i32
      %dma_start3A_270 = tpu.memref_slice %arg8[%add3A_258, %dma_start3A_269] : memref<10240x128xf32, #tpu.memory_space<vmem_shared>> -> memref<128x128xf32, #tpu.memory_space<vmem_shared>>
      %dma_start3A_271 = arith.constant 0 : i32
      %dma_start3A_272 = arith.constant 0 : i32
      %dma_start3A_273 = tpu.memref_slice %arg12[%dma_start3A_271, %dma_start3A_272] : memref<128x128xf32, #tpu.memory_space<vmem>> -> memref<128x128xf32, #tpu.memory_space<vmem>>
      %dma_start3A_274 = arith.constant 0 : i32
      %dma_start3A_275 = tpu.memref_slice %arg8[%add3A_258, %dma_start3A_274] : memref<10240x128xf32, #tpu.memory_space<vmem_shared>> -> memref<128x128xf32, #tpu.memory_space<vmem_shared>>
      tpu.enqueue_dma source(%dma_start3A_275 : memref<128x128xf32, #tpu.memory_space<vmem_shared>>) target(%dma_start3A_273 : memref<128x128xf32, #tpu.memory_space<vmem>>) target_semaphore(%run_scoped3A : memref<!tpu.dma_semaphore, #tpu.memory_space<semaphore_mem>>)
      %dma_wait3A = arith.constant 0 : i32
      %dma_wait3A_276 = arith.constant 0 : i32
      %dma_wait3A_277 = tpu.memref_slice %arg12[%dma_wait3A, %dma_wait3A_276] : memref<128x128xf32, #tpu.memory_space<vmem>> -> memref<128x128xf32, #tpu.memory_space<vmem>>
      %dma_wait3A_278 = arith.constant 0 : i32
      %dma_wait3A_279 = tpu.memref_slice %arg8[%add3A_258, %dma_wait3A_278] : memref<10240x128xf32, #tpu.memory_space<vmem_shared>> -> memref<128x128xf32, #tpu.memory_space<vmem_shared>>
      %dma_wait3A_280 = arith.constant 0 : i32
      %dma_wait3A_281 = arith.constant 0 : i32
      %dma_wait3A_282 = tpu.memref_slice %arg12[%dma_wait3A_280, %dma_wait3A_281] : memref<128x128xf32, #tpu.memory_space<vmem>> -> memref<128x128xf32, #tpu.memory_space<vmem>>
      %dma_wait3A_283 = arith.constant 0 : i32
      %dma_wait3A_284 = tpu.memref_slice %arg8[%add3A_258, %dma_wait3A_283] : memref<10240x128xf32, #tpu.memory_space<vmem_shared>> -> memref<128x128xf32, #tpu.memory_space<vmem_shared>>
      tpu.wait_dma2 semaphore(%run_scoped3A : memref<!tpu.dma_semaphore, #tpu.memory_space<semaphore_mem>>) src(%dma_wait3A_284 : memref<128x128xf32, #tpu.memory_space<vmem_shared>>) dst(%dma_wait3A_282 : memref<128x128xf32, #tpu.memory_space<vmem>>)
      tpu.yield
    }) : () -> ()
    "tpu.region"() ({
      %run_scoped3A = tpu.sem_alloc : memref<!tpu.dma_semaphore, #tpu.memory_space<semaphore_mem>>
      %dma_start3A = arith.constant 0 : i32
      %dma_start3A_267 = arith.constant 0 : i32
      %dma_start3A_268 = tpu.memref_slice %arg12[%dma_start3A, %dma_start3A_267] : memref<128x128xf32, #tpu.memory_space<vmem>> -> memref<128x128xf32, #tpu.memory_space<vmem>>
      %dma_start3A_269 = arith.constant 0 : i32
      %dma_start3A_270 = arith.constant 0 : i32
      %dma_start3A_271 = tpu.memref_slice %arg6[%arg0, %dma_start3A_269, %dma_start3A_270] : memref<2x10240x128xf32, #tpu.memory_space<hbm>> -> memref<1x10240x128xf32, #tpu.memory_space<hbm>>
      %dma_start3A_272 = tpu.memref_squeeze %dma_start3A_271 : memref<1x10240x128xf32, #tpu.memory_space<hbm>> -> memref<10240x128xf32, #tpu.memory_space<hbm>>
      %dma_start3A_273 = arith.constant 0 : i32
      %dma_start3A_274 = tpu.memref_slice %dma_start3A_272[%add3A_258, %dma_start3A_273] : memref<10240x128xf32, #tpu.memory_space<hbm>> -> memref<128x128xf32, #tpu.memory_space<hbm>>
      %dma_start3A_275 = arith.constant 0 : i32
      %dma_start3A_276 = arith.constant 0 : i32
      %dma_start3A_277 = tpu.memref_slice %arg6[%arg0, %dma_start3A_275, %dma_start3A_276] : memref<2x10240x128xf32, #tpu.memory_space<hbm>> -> memref<1x10240x128xf32, #tpu.memory_space<hbm>>
      %dma_start3A_278 = tpu.memref_squeeze %dma_start3A_277 : memref<1x10240x128xf32, #tpu.memory_space<hbm>> -> memref<10240x128xf32, #tpu.memory_space<hbm>>
      %dma_start3A_279 = arith.constant 0 : i32
      %dma_start3A_280 = tpu.memref_slice %dma_start3A_278[%add3A_258, %dma_start3A_279] : memref<10240x128xf32, #tpu.memory_space<hbm>> -> memref<128x128xf32, #tpu.memory_space<hbm>>
      %dma_start3A_281 = arith.constant 0 : i32
      %dma_start3A_282 = arith.constant 0 : i32
      %dma_start3A_283 = tpu.memref_slice %arg12[%dma_start3A_281, %dma_start3A_282] : memref<128x128xf32, #tpu.memory_space<vmem>> -> memref<128x128xf32, #tpu.memory_space<vmem>>
      tpu.enqueue_dma source(%dma_start3A_283 : memref<128x128xf32, #tpu.memory_space<vmem>>) target(%dma_start3A_280 : memref<128x128xf32, #tpu.memory_space<hbm>>) target_semaphore(%run_scoped3A : memref<!tpu.dma_semaphore, #tpu.memory_space<semaphore_mem>>)
      %dma_wait3A = arith.constant 0 : i32
      %dma_wait3A_284 = arith.constant 0 : i32
      %dma_wait3A_285 = tpu.memref_slice %arg12[%dma_wait3A, %dma_wait3A_284] : memref<128x128xf32, #tpu.memory_space<vmem>> -> memref<128x128xf32, #tpu.memory_space<vmem>>
      %dma_wait3A_286 = arith.constant 0 : i32
      %dma_wait3A_287 = arith.constant 0 : i32
      %dma_wait3A_288 = tpu.memref_slice %arg6[%arg0, %dma_wait3A_286, %dma_wait3A_287] : memref<2x10240x128xf32, #tpu.memory_space<hbm>> -> memref<1x10240x128xf32, #tpu.memory_space<hbm>>
      %dma_wait3A_289 = tpu.memref_squeeze %dma_wait3A_288 : memref<1x10240x128xf32, #tpu.memory_space<hbm>> -> memref<10240x128xf32, #tpu.memory_space<hbm>>
      %dma_wait3A_290 = arith.constant 0 : i32
      %dma_wait3A_291 = tpu.memref_slice %dma_wait3A_289[%add3A_258, %dma_wait3A_290] : memref<10240x128xf32, #tpu.memory_space<hbm>> -> memref<128x128xf32, #tpu.memory_space<hbm>>
      %dma_wait3A_292 = arith.constant 0 : i32
      %dma_wait3A_293 = arith.constant 0 : i32
      %dma_wait3A_294 = tpu.memref_slice %arg6[%arg0, %dma_wait3A_292, %dma_wait3A_293] : memref<2x10240x128xf32, #tpu.memory_space<hbm>> -> memref<1x10240x128xf32, #tpu.memory_space<hbm>>
      %dma_wait3A_295 = tpu.memref_squeeze %dma_wait3A_294 : memref<1x10240x128xf32, #tpu.memory_space<hbm>> -> memref<10240x128xf32, #tpu.memory_space<hbm>>
      %dma_wait3A_296 = arith.constant 0 : i32
      %dma_wait3A_297 = tpu.memref_slice %dma_wait3A_295[%add3A_258, %dma_wait3A_296] : memref<10240x128xf32, #tpu.memory_space<hbm>> -> memref<128x128xf32, #tpu.memory_space<hbm>>
      %dma_wait3A_298 = arith.constant 0 : i32
      %dma_wait3A_299 = arith.constant 0 : i32
      %dma_wait3A_300 = tpu.memref_slice %arg12[%dma_wait3A_298, %dma_wait3A_299] : memref<128x128xf32, #tpu.memory_space<vmem>> -> memref<128x128xf32, #tpu.memory_space<vmem>>
      tpu.wait_dma2 semaphore(%run_scoped3A : memref<!tpu.dma_semaphore, #tpu.memory_space<semaphore_mem>>) src(%dma_wait3A_300 : memref<128x128xf32, #tpu.memory_space<vmem>>) dst(%dma_wait3A_297 : memref<128x128xf32, #tpu.memory_space<hbm>>)
      tpu.yield
    }) : () -> ()
    %add3A_259 = arith.constant 128 : i32
    %add3A_260 = arith.addi %mul3A_2, %add3A_259 : i32
    "tpu.region"() ({
      %run_scoped3A = tpu.sem_alloc : memref<!tpu.dma_semaphore, #tpu.memory_space<semaphore_mem>>
      %dma_start3A = arith.constant 0 : i32
      %dma_start3A_267 = arith.constant 0 : i32
      %dma_start3A_268 = tpu.memref_slice %arg12[%dma_start3A, %dma_start3A_267] : memref<128x128xf32, #tpu.memory_space<vmem>> -> memref<128x128xf32, #tpu.memory_space<vmem>>
      %dma_start3A_269 = arith.constant 0 : i32
      %dma_start3A_270 = tpu.memref_slice %arg8[%add3A_260, %dma_start3A_269] : memref<10240x128xf32, #tpu.memory_space<vmem_shared>> -> memref<128x128xf32, #tpu.memory_space<vmem_shared>>
      %dma_start3A_271 = arith.constant 0 : i32
      %dma_start3A_272 = arith.constant 0 : i32
      %dma_start3A_273 = tpu.memref_slice %arg12[%dma_start3A_271, %dma_start3A_272] : memref<128x128xf32, #tpu.memory_space<vmem>> -> memref<128x128xf32, #tpu.memory_space<vmem>>
      %dma_start3A_274 = arith.constant 0 : i32
      %dma_start3A_275 = tpu.memref_slice %arg8[%add3A_260, %dma_start3A_274] : memref<10240x128xf32, #tpu.memory_space<vmem_shared>> -> memref<128x128xf32, #tpu.memory_space<vmem_shared>>
      tpu.enqueue_dma source(%dma_start3A_275 : memref<128x128xf32, #tpu.memory_space<vmem_shared>>) target(%dma_start3A_273 : memref<128x128xf32, #tpu.memory_space<vmem>>) target_semaphore(%run_scoped3A : memref<!tpu.dma_semaphore, #tpu.memory_space<semaphore_mem>>)
      %dma_wait3A = arith.constant 0 : i32
      %dma_wait3A_276 = arith.constant 0 : i32
      %dma_wait3A_277 = tpu.memref_slice %arg12[%dma_wait3A, %dma_wait3A_276] : memref<128x128xf32, #tpu.memory_space<vmem>> -> memref<128x128xf32, #tpu.memory_space<vmem>>
      %dma_wait3A_278 = arith.constant 0 : i32
      %dma_wait3A_279 = tpu.memref_slice %arg8[%add3A_260, %dma_wait3A_278] : memref<10240x128xf32, #tpu.memory_space<vmem_shared>> -> memref<128x128xf32, #tpu.memory_space<vmem_shared>>
      %dma_wait3A_280 = arith.constant 0 : i32
      %dma_wait3A_281 = arith.constant 0 : i32
      %dma_wait3A_282 = tpu.memref_slice %arg12[%dma_wait3A_280, %dma_wait3A_281] : memref<128x128xf32, #tpu.memory_space<vmem>> -> memref<128x128xf32, #tpu.memory_space<vmem>>
      %dma_wait3A_283 = arith.constant 0 : i32
      %dma_wait3A_284 = tpu.memref_slice %arg8[%add3A_260, %dma_wait3A_283] : memref<10240x128xf32, #tpu.memory_space<vmem_shared>> -> memref<128x128xf32, #tpu.memory_space<vmem_shared>>
      tpu.wait_dma2 semaphore(%run_scoped3A : memref<!tpu.dma_semaphore, #tpu.memory_space<semaphore_mem>>) src(%dma_wait3A_284 : memref<128x128xf32, #tpu.memory_space<vmem_shared>>) dst(%dma_wait3A_282 : memref<128x128xf32, #tpu.memory_space<vmem>>)
      tpu.yield
    }) : () -> ()
    "tpu.region"() ({
      %run_scoped3A = tpu.sem_alloc : memref<!tpu.dma_semaphore, #tpu.memory_space<semaphore_mem>>
      %dma_start3A = arith.constant 0 : i32
      %dma_start3A_267 = arith.constant 0 : i32
      %dma_start3A_268 = tpu.memref_slice %arg12[%dma_start3A, %dma_start3A_267] : memref<128x128xf32, #tpu.memory_space<vmem>> -> memref<128x128xf32, #tpu.memory_space<vmem>>
      %dma_start3A_269 = arith.constant 0 : i32
      %dma_start3A_270 = arith.constant 0 : i32
      %dma_start3A_271 = tpu.memref_slice %arg6[%arg0, %dma_start3A_269, %dma_start3A_270] : memref<2x10240x128xf32, #tpu.memory_space<hbm>> -> memref<1x10240x128xf32, #tpu.memory_space<hbm>>
      %dma_start3A_272 = tpu.memref_squeeze %dma_start3A_271 : memref<1x10240x128xf32, #tpu.memory_space<hbm>> -> memref<10240x128xf32, #tpu.memory_space<hbm>>
      %dma_start3A_273 = arith.constant 0 : i32
      %dma_start3A_274 = tpu.memref_slice %dma_start3A_272[%add3A_260, %dma_start3A_273] : memref<10240x128xf32, #tpu.memory_space<hbm>> -> memref<128x128xf32, #tpu.memory_space<hbm>>
      %dma_start3A_275 = arith.constant 0 : i32
      %dma_start3A_276 = arith.constant 0 : i32
      %dma_start3A_277 = tpu.memref_slice %arg6[%arg0, %dma_start3A_275, %dma_start3A_276] : memref<2x10240x128xf32, #tpu.memory_space<hbm>> -> memref<1x10240x128xf32, #tpu.memory_space<hbm>>
      %dma_start3A_278 = tpu.memref_squeeze %dma_start3A_277 : memref<1x10240x128xf32, #tpu.memory_space<hbm>> -> memref<10240x128xf32, #tpu.memory_space<hbm>>
      %dma_start3A_279 = arith.constant 0 : i32
      %dma_start3A_280 = tpu.memref_slice %dma_start3A_278[%add3A_260, %dma_start3A_279] : memref<10240x128xf32, #tpu.memory_space<hbm>> -> memref<128x128xf32, #tpu.memory_space<hbm>>
      %dma_start3A_281 = arith.constant 0 : i32
      %dma_start3A_282 = arith.constant 0 : i32
      %dma_start3A_283 = tpu.memref_slice %arg12[%dma_start3A_281, %dma_start3A_282] : memref<128x128xf32, #tpu.memory_space<vmem>> -> memref<128x128xf32, #tpu.memory_space<vmem>>
      tpu.enqueue_dma source(%dma_start3A_283 : memref<128x128xf32, #tpu.memory_space<vmem>>) target(%dma_start3A_280 : memref<128x128xf32, #tpu.memory_space<hbm>>) target_semaphore(%run_scoped3A : memref<!tpu.dma_semaphore, #tpu.memory_space<semaphore_mem>>)
      %dma_wait3A = arith.constant 0 : i32
      %dma_wait3A_284 = arith.constant 0 : i32
      %dma_wait3A_285 = tpu.memref_slice %arg12[%dma_wait3A, %dma_wait3A_284] : memref<128x128xf32, #tpu.memory_space<vmem>> -> memref<128x128xf32, #tpu.memory_space<vmem>>
      %dma_wait3A_286 = arith.constant 0 : i32
      %dma_wait3A_287 = arith.constant 0 : i32
      %dma_wait3A_288 = tpu.memref_slice %arg6[%arg0, %dma_wait3A_286, %dma_wait3A_287] : memref<2x10240x128xf32, #tpu.memory_space<hbm>> -> memref<1x10240x128xf32, #tpu.memory_space<hbm>>
      %dma_wait3A_289 = tpu.memref_squeeze %dma_wait3A_288 : memref<1x10240x128xf32, #tpu.memory_space<hbm>> -> memref<10240x128xf32, #tpu.memory_space<hbm>>
      %dma_wait3A_290 = arith.constant 0 : i32
      %dma_wait3A_291 = tpu.memref_slice %dma_wait3A_289[%add3A_260, %dma_wait3A_290] : memref<10240x128xf32, #tpu.memory_space<hbm>> -> memref<128x128xf32, #tpu.memory_space<hbm>>
      %dma_wait3A_292 = arith.constant 0 : i32
      %dma_wait3A_293 = arith.constant 0 : i32
      %dma_wait3A_294 = tpu.memref_slice %arg6[%arg0, %dma_wait3A_292, %dma_wait3A_293] : memref<2x10240x128xf32, #tpu.memory_space<hbm>> -> memref<1x10240x128xf32, #tpu.memory_space<hbm>>
      %dma_wait3A_295 = tpu.memref_squeeze %dma_wait3A_294 : memref<1x10240x128xf32, #tpu.memory_space<hbm>> -> memref<10240x128xf32, #tpu.memory_space<hbm>>
      %dma_wait3A_296 = arith.constant 0 : i32
      %dma_wait3A_297 = tpu.memref_slice %dma_wait3A_295[%add3A_260, %dma_wait3A_296] : memref<10240x128xf32, #tpu.memory_space<hbm>> -> memref<128x128xf32, #tpu.memory_space<hbm>>
      %dma_wait3A_298 = arith.constant 0 : i32
      %dma_wait3A_299 = arith.constant 0 : i32
      %dma_wait3A_300 = tpu.memref_slice %arg12[%dma_wait3A_298, %dma_wait3A_299] : memref<128x128xf32, #tpu.memory_space<vmem>> -> memref<128x128xf32, #tpu.memory_space<vmem>>
      tpu.wait_dma2 semaphore(%run_scoped3A : memref<!tpu.dma_semaphore, #tpu.memory_space<semaphore_mem>>) src(%dma_wait3A_300 : memref<128x128xf32, #tpu.memory_space<vmem>>) dst(%dma_wait3A_297 : memref<128x128xf32, #tpu.memory_space<hbm>>)
      tpu.yield
    }) : () -> ()
    %add3A_261 = arith.constant 256 : i32
    %add3A_262 = arith.addi %mul3A_2, %add3A_261 : i32
    "tpu.region"() ({
      %run_scoped3A = tpu.sem_alloc : memref<!tpu.dma_semaphore, #tpu.memory_space<semaphore_mem>>
      %dma_start3A = arith.constant 0 : i32
      %dma_start3A_267 = arith.constant 0 : i32
      %dma_start3A_268 = tpu.memref_slice %arg12[%dma_start3A, %dma_start3A_267] : memref<128x128xf32, #tpu.memory_space<vmem>> -> memref<128x128xf32, #tpu.memory_space<vmem>>
      %dma_start3A_269 = arith.constant 0 : i32
      %dma_start3A_270 = tpu.memref_slice %arg8[%add3A_262, %dma_start3A_269] : memref<10240x128xf32, #tpu.memory_space<vmem_shared>> -> memref<128x128xf32, #tpu.memory_space<vmem_shared>>
      %dma_start3A_271 = arith.constant 0 : i32
      %dma_start3A_272 = arith.constant 0 : i32
      %dma_start3A_273 = tpu.memref_slice %arg12[%dma_start3A_271, %dma_start3A_272] : memref<128x128xf32, #tpu.memory_space<vmem>> -> memref<128x128xf32, #tpu.memory_space<vmem>>
      %dma_start3A_274 = arith.constant 0 : i32
      %dma_start3A_275 = tpu.memref_slice %arg8[%add3A_262, %dma_start3A_274] : memref<10240x128xf32, #tpu.memory_space<vmem_shared>> -> memref<128x128xf32, #tpu.memory_space<vmem_shared>>
      tpu.enqueue_dma source(%dma_start3A_275 : memref<128x128xf32, #tpu.memory_space<vmem_shared>>) target(%dma_start3A_273 : memref<128x128xf32, #tpu.memory_space<vmem>>) target_semaphore(%run_scoped3A : memref<!tpu.dma_semaphore, #tpu.memory_space<semaphore_mem>>)
      %dma_wait3A = arith.constant 0 : i32
      %dma_wait3A_276 = arith.constant 0 : i32
      %dma_wait3A_277 = tpu.memref_slice %arg12[%dma_wait3A, %dma_wait3A_276] : memref<128x128xf32, #tpu.memory_space<vmem>> -> memref<128x128xf32, #tpu.memory_space<vmem>>
      %dma_wait3A_278 = arith.constant 0 : i32
      %dma_wait3A_279 = tpu.memref_slice %arg8[%add3A_262, %dma_wait3A_278] : memref<10240x128xf32, #tpu.memory_space<vmem_shared>> -> memref<128x128xf32, #tpu.memory_space<vmem_shared>>
      %dma_wait3A_280 = arith.constant 0 : i32
      %dma_wait3A_281 = arith.constant 0 : i32
      %dma_wait3A_282 = tpu.memref_slice %arg12[%dma_wait3A_280, %dma_wait3A_281] : memref<128x128xf32, #tpu.memory_space<vmem>> -> memref<128x128xf32, #tpu.memory_space<vmem>>
      %dma_wait3A_283 = arith.constant 0 : i32
      %dma_wait3A_284 = tpu.memref_slice %arg8[%add3A_262, %dma_wait3A_283] : memref<10240x128xf32, #tpu.memory_space<vmem_shared>> -> memref<128x128xf32, #tpu.memory_space<vmem_shared>>
      tpu.wait_dma2 semaphore(%run_scoped3A : memref<!tpu.dma_semaphore, #tpu.memory_space<semaphore_mem>>) src(%dma_wait3A_284 : memref<128x128xf32, #tpu.memory_space<vmem_shared>>) dst(%dma_wait3A_282 : memref<128x128xf32, #tpu.memory_space<vmem>>)
      tpu.yield
    }) : () -> ()
    "tpu.region"() ({
      %run_scoped3A = tpu.sem_alloc : memref<!tpu.dma_semaphore, #tpu.memory_space<semaphore_mem>>
      %dma_start3A = arith.constant 0 : i32
      %dma_start3A_267 = arith.constant 0 : i32
      %dma_start3A_268 = tpu.memref_slice %arg12[%dma_start3A, %dma_start3A_267] : memref<128x128xf32, #tpu.memory_space<vmem>> -> memref<128x128xf32, #tpu.memory_space<vmem>>
      %dma_start3A_269 = arith.constant 0 : i32
      %dma_start3A_270 = arith.constant 0 : i32
      %dma_start3A_271 = tpu.memref_slice %arg6[%arg0, %dma_start3A_269, %dma_start3A_270] : memref<2x10240x128xf32, #tpu.memory_space<hbm>> -> memref<1x10240x128xf32, #tpu.memory_space<hbm>>
      %dma_start3A_272 = tpu.memref_squeeze %dma_start3A_271 : memref<1x10240x128xf32, #tpu.memory_space<hbm>> -> memref<10240x128xf32, #tpu.memory_space<hbm>>
      %dma_start3A_273 = arith.constant 0 : i32
      %dma_start3A_274 = tpu.memref_slice %dma_start3A_272[%add3A_262, %dma_start3A_273] : memref<10240x128xf32, #tpu.memory_space<hbm>> -> memref<128x128xf32, #tpu.memory_space<hbm>>
      %dma_start3A_275 = arith.constant 0 : i32
      %dma_start3A_276 = arith.constant 0 : i32
      %dma_start3A_277 = tpu.memref_slice %arg6[%arg0, %dma_start3A_275, %dma_start3A_276] : memref<2x10240x128xf32, #tpu.memory_space<hbm>> -> memref<1x10240x128xf32, #tpu.memory_space<hbm>>
      %dma_start3A_278 = tpu.memref_squeeze %dma_start3A_277 : memref<1x10240x128xf32, #tpu.memory_space<hbm>> -> memref<10240x128xf32, #tpu.memory_space<hbm>>
      %dma_start3A_279 = arith.constant 0 : i32
      %dma_start3A_280 = tpu.memref_slice %dma_start3A_278[%add3A_262, %dma_start3A_279] : memref<10240x128xf32, #tpu.memory_space<hbm>> -> memref<128x128xf32, #tpu.memory_space<hbm>>
      %dma_start3A_281 = arith.constant 0 : i32
      %dma_start3A_282 = arith.constant 0 : i32
      %dma_start3A_283 = tpu.memref_slice %arg12[%dma_start3A_281, %dma_start3A_282] : memref<128x128xf32, #tpu.memory_space<vmem>> -> memref<128x128xf32, #tpu.memory_space<vmem>>
      tpu.enqueue_dma source(%dma_start3A_283 : memref<128x128xf32, #tpu.memory_space<vmem>>) target(%dma_start3A_280 : memref<128x128xf32, #tpu.memory_space<hbm>>) target_semaphore(%run_scoped3A : memref<!tpu.dma_semaphore, #tpu.memory_space<semaphore_mem>>)
      %dma_wait3A = arith.constant 0 : i32
      %dma_wait3A_284 = arith.constant 0 : i32
      %dma_wait3A_285 = tpu.memref_slice %arg12[%dma_wait3A, %dma_wait3A_284] : memref<128x128xf32, #tpu.memory_space<vmem>> -> memref<128x128xf32, #tpu.memory_space<vmem>>
      %dma_wait3A_286 = arith.constant 0 : i32
      %dma_wait3A_287 = arith.constant 0 : i32
      %dma_wait3A_288 = tpu.memref_slice %arg6[%arg0, %dma_wait3A_286, %dma_wait3A_287] : memref<2x10240x128xf32, #tpu.memory_space<hbm>> -> memref<1x10240x128xf32, #tpu.memory_space<hbm>>
      %dma_wait3A_289 = tpu.memref_squeeze %dma_wait3A_288 : memref<1x10240x128xf32, #tpu.memory_space<hbm>> -> memref<10240x128xf32, #tpu.memory_space<hbm>>
      %dma_wait3A_290 = arith.constant 0 : i32
      %dma_wait3A_291 = tpu.memref_slice %dma_wait3A_289[%add3A_262, %dma_wait3A_290] : memref<10240x128xf32, #tpu.memory_space<hbm>> -> memref<128x128xf32, #tpu.memory_space<hbm>>
      %dma_wait3A_292 = arith.constant 0 : i32
      %dma_wait3A_293 = arith.constant 0 : i32
      %dma_wait3A_294 = tpu.memref_slice %arg6[%arg0, %dma_wait3A_292, %dma_wait3A_293] : memref<2x10240x128xf32, #tpu.memory_space<hbm>> -> memref<1x10240x128xf32, #tpu.memory_space<hbm>>
      %dma_wait3A_295 = tpu.memref_squeeze %dma_wait3A_294 : memref<1x10240x128xf32, #tpu.memory_space<hbm>> -> memref<10240x128xf32, #tpu.memory_space<hbm>>
      %dma_wait3A_296 = arith.constant 0 : i32
      %dma_wait3A_297 = tpu.memref_slice %dma_wait3A_295[%add3A_262, %dma_wait3A_296] : memref<10240x128xf32, #tpu.memory_space<hbm>> -> memref<128x128xf32, #tpu.memory_space<hbm>>
      %dma_wait3A_298 = arith.constant 0 : i32
      %dma_wait3A_299 = arith.constant 0 : i32
      %dma_wait3A_300 = tpu.memref_slice %arg12[%dma_wait3A_298, %dma_wait3A_299] : memref<128x128xf32, #tpu.memory_space<vmem>> -> memref<128x128xf32, #tpu.memory_space<vmem>>
      tpu.wait_dma2 semaphore(%run_scoped3A : memref<!tpu.dma_semaphore, #tpu.memory_space<semaphore_mem>>) src(%dma_wait3A_300 : memref<128x128xf32, #tpu.memory_space<vmem>>) dst(%dma_wait3A_297 : memref<128x128xf32, #tpu.memory_space<hbm>>)
      tpu.yield
    }) : () -> ()
    %add3A_263 = arith.constant 384 : i32
    %add3A_264 = arith.addi %mul3A_2, %add3A_263 : i32
    "tpu.region"() ({
      %run_scoped3A = tpu.sem_alloc : memref<!tpu.dma_semaphore, #tpu.memory_space<semaphore_mem>>
      %dma_start3A = arith.constant 0 : i32
      %dma_start3A_267 = arith.constant 0 : i32
      %dma_start3A_268 = tpu.memref_slice %arg12[%dma_start3A, %dma_start3A_267] : memref<128x128xf32, #tpu.memory_space<vmem>> -> memref<128x128xf32, #tpu.memory_space<vmem>>
      %dma_start3A_269 = arith.constant 0 : i32
      %dma_start3A_270 = tpu.memref_slice %arg8[%add3A_264, %dma_start3A_269] : memref<10240x128xf32, #tpu.memory_space<vmem_shared>> -> memref<128x128xf32, #tpu.memory_space<vmem_shared>>
      %dma_start3A_271 = arith.constant 0 : i32
      %dma_start3A_272 = arith.constant 0 : i32
      %dma_start3A_273 = tpu.memref_slice %arg12[%dma_start3A_271, %dma_start3A_272] : memref<128x128xf32, #tpu.memory_space<vmem>> -> memref<128x128xf32, #tpu.memory_space<vmem>>
      %dma_start3A_274 = arith.constant 0 : i32
      %dma_start3A_275 = tpu.memref_slice %arg8[%add3A_264, %dma_start3A_274] : memref<10240x128xf32, #tpu.memory_space<vmem_shared>> -> memref<128x128xf32, #tpu.memory_space<vmem_shared>>
      tpu.enqueue_dma source(%dma_start3A_275 : memref<128x128xf32, #tpu.memory_space<vmem_shared>>) target(%dma_start3A_273 : memref<128x128xf32, #tpu.memory_space<vmem>>) target_semaphore(%run_scoped3A : memref<!tpu.dma_semaphore, #tpu.memory_space<semaphore_mem>>)
      %dma_wait3A = arith.constant 0 : i32
      %dma_wait3A_276 = arith.constant 0 : i32
      %dma_wait3A_277 = tpu.memref_slice %arg12[%dma_wait3A, %dma_wait3A_276] : memref<128x128xf32, #tpu.memory_space<vmem>> -> memref<128x128xf32, #tpu.memory_space<vmem>>
      %dma_wait3A_278 = arith.constant 0 : i32
      %dma_wait3A_279 = tpu.memref_slice %arg8[%add3A_264, %dma_wait3A_278] : memref<10240x128xf32, #tpu.memory_space<vmem_shared>> -> memref<128x128xf32, #tpu.memory_space<vmem_shared>>
      %dma_wait3A_280 = arith.constant 0 : i32
      %dma_wait3A_281 = arith.constant 0 : i32
      %dma_wait3A_282 = tpu.memref_slice %arg12[%dma_wait3A_280, %dma_wait3A_281] : memref<128x128xf32, #tpu.memory_space<vmem>> -> memref<128x128xf32, #tpu.memory_space<vmem>>
      %dma_wait3A_283 = arith.constant 0 : i32
      %dma_wait3A_284 = tpu.memref_slice %arg8[%add3A_264, %dma_wait3A_283] : memref<10240x128xf32, #tpu.memory_space<vmem_shared>> -> memref<128x128xf32, #tpu.memory_space<vmem_shared>>
      tpu.wait_dma2 semaphore(%run_scoped3A : memref<!tpu.dma_semaphore, #tpu.memory_space<semaphore_mem>>) src(%dma_wait3A_284 : memref<128x128xf32, #tpu.memory_space<vmem_shared>>) dst(%dma_wait3A_282 : memref<128x128xf32, #tpu.memory_space<vmem>>)
      tpu.yield
    }) : () -> ()
    "tpu.region"() ({
      %run_scoped3A = tpu.sem_alloc : memref<!tpu.dma_semaphore, #tpu.memory_space<semaphore_mem>>
      %dma_start3A = arith.constant 0 : i32
      %dma_start3A_267 = arith.constant 0 : i32
      %dma_start3A_268 = tpu.memref_slice %arg12[%dma_start3A, %dma_start3A_267] : memref<128x128xf32, #tpu.memory_space<vmem>> -> memref<128x128xf32, #tpu.memory_space<vmem>>
      %dma_start3A_269 = arith.constant 0 : i32
      %dma_start3A_270 = arith.constant 0 : i32
      %dma_start3A_271 = tpu.memref_slice %arg6[%arg0, %dma_start3A_269, %dma_start3A_270] : memref<2x10240x128xf32, #tpu.memory_space<hbm>> -> memref<1x10240x128xf32, #tpu.memory_space<hbm>>
      %dma_start3A_272 = tpu.memref_squeeze %dma_start3A_271 : memref<1x10240x128xf32, #tpu.memory_space<hbm>> -> memref<10240x128xf32, #tpu.memory_space<hbm>>
      %dma_start3A_273 = arith.constant 0 : i32
      %dma_start3A_274 = tpu.memref_slice %dma_start3A_272[%add3A_264, %dma_start3A_273] : memref<10240x128xf32, #tpu.memory_space<hbm>> -> memref<128x128xf32, #tpu.memory_space<hbm>>
      %dma_start3A_275 = arith.constant 0 : i32
      %dma_start3A_276 = arith.constant 0 : i32
      %dma_start3A_277 = tpu.memref_slice %arg6[%arg0, %dma_start3A_275, %dma_start3A_276] : memref<2x10240x128xf32, #tpu.memory_space<hbm>> -> memref<1x10240x128xf32, #tpu.memory_space<hbm>>
      %dma_start3A_278 = tpu.memref_squeeze %dma_start3A_277 : memref<1x10240x128xf32, #tpu.memory_space<hbm>> -> memref<10240x128xf32, #tpu.memory_space<hbm>>
      %dma_start3A_279 = arith.constant 0 : i32
      %dma_start3A_280 = tpu.memref_slice %dma_start3A_278[%add3A_264, %dma_start3A_279] : memref<10240x128xf32, #tpu.memory_space<hbm>> -> memref<128x128xf32, #tpu.memory_space<hbm>>
      %dma_start3A_281 = arith.constant 0 : i32
      %dma_start3A_282 = arith.constant 0 : i32
      %dma_start3A_283 = tpu.memref_slice %arg12[%dma_start3A_281, %dma_start3A_282] : memref<128x128xf32, #tpu.memory_space<vmem>> -> memref<128x128xf32, #tpu.memory_space<vmem>>
      tpu.enqueue_dma source(%dma_start3A_283 : memref<128x128xf32, #tpu.memory_space<vmem>>) target(%dma_start3A_280 : memref<128x128xf32, #tpu.memory_space<hbm>>) target_semaphore(%run_scoped3A : memref<!tpu.dma_semaphore, #tpu.memory_space<semaphore_mem>>)
      %dma_wait3A = arith.constant 0 : i32
      %dma_wait3A_284 = arith.constant 0 : i32
      %dma_wait3A_285 = tpu.memref_slice %arg12[%dma_wait3A, %dma_wait3A_284] : memref<128x128xf32, #tpu.memory_space<vmem>> -> memref<128x128xf32, #tpu.memory_space<vmem>>
      %dma_wait3A_286 = arith.constant 0 : i32
      %dma_wait3A_287 = arith.constant 0 : i32
      %dma_wait3A_288 = tpu.memref_slice %arg6[%arg0, %dma_wait3A_286, %dma_wait3A_287] : memref<2x10240x128xf32, #tpu.memory_space<hbm>> -> memref<1x10240x128xf32, #tpu.memory_space<hbm>>
      %dma_wait3A_289 = tpu.memref_squeeze %dma_wait3A_288 : memref<1x10240x128xf32, #tpu.memory_space<hbm>> -> memref<10240x128xf32, #tpu.memory_space<hbm>>
      %dma_wait3A_290 = arith.constant 0 : i32
      %dma_wait3A_291 = tpu.memref_slice %dma_wait3A_289[%add3A_264, %dma_wait3A_290] : memref<10240x128xf32, #tpu.memory_space<hbm>> -> memref<128x128xf32, #tpu.memory_space<hbm>>
      %dma_wait3A_292 = arith.constant 0 : i32
      %dma_wait3A_293 = arith.constant 0 : i32
      %dma_wait3A_294 = tpu.memref_slice %arg6[%arg0, %dma_wait3A_292, %dma_wait3A_293] : memref<2x10240x128xf32, #tpu.memory_space<hbm>> -> memref<1x10240x128xf32, #tpu.memory_space<hbm>>
      %dma_wait3A_295 = tpu.memref_squeeze %dma_wait3A_294 : memref<1x10240x128xf32, #tpu.memory_space<hbm>> -> memref<10240x128xf32, #tpu.memory_space<hbm>>
      %dma_wait3A_296 = arith.constant 0 : i32
      %dma_wait3A_297 = tpu.memref_slice %dma_wait3A_295[%add3A_264, %dma_wait3A_296] : memref<10240x128xf32, #tpu.memory_space<hbm>> -> memref<128x128xf32, #tpu.memory_space<hbm>>
      %dma_wait3A_298 = arith.constant 0 : i32
      %dma_wait3A_299 = arith.constant 0 : i32
      %dma_wait3A_300 = tpu.memref_slice %arg12[%dma_wait3A_298, %dma_wait3A_299] : memref<128x128xf32, #tpu.memory_space<vmem>> -> memref<128x128xf32, #tpu.memory_space<vmem>>
      tpu.wait_dma2 semaphore(%run_scoped3A : memref<!tpu.dma_semaphore, #tpu.memory_space<semaphore_mem>>) src(%dma_wait3A_300 : memref<128x128xf32, #tpu.memory_space<vmem>>) dst(%dma_wait3A_297 : memref<128x128xf32, #tpu.memory_space<hbm>>)
      tpu.yield
    }) : () -> ()
    %add3A_265 = arith.constant 512 : i32
    %add3A_266 = arith.addi %mul3A_2, %add3A_265 : i32
    "tpu.region"() ({
      %run_scoped3A = tpu.sem_alloc : memref<!tpu.dma_semaphore, #tpu.memory_space<semaphore_mem>>
      %dma_start3A = arith.constant 0 : i32
      %dma_start3A_267 = arith.constant 0 : i32
      %dma_start3A_268 = tpu.memref_slice %arg12[%dma_start3A, %dma_start3A_267] : memref<128x128xf32, #tpu.memory_space<vmem>> -> memref<128x128xf32, #tpu.memory_space<vmem>>
      %dma_start3A_269 = arith.constant 0 : i32
      %dma_start3A_270 = tpu.memref_slice %arg8[%add3A_266, %dma_start3A_269] : memref<10240x128xf32, #tpu.memory_space<vmem_shared>> -> memref<128x128xf32, #tpu.memory_space<vmem_shared>>
      %dma_start3A_271 = arith.constant 0 : i32
      %dma_start3A_272 = arith.constant 0 : i32
      %dma_start3A_273 = tpu.memref_slice %arg12[%dma_start3A_271, %dma_start3A_272] : memref<128x128xf32, #tpu.memory_space<vmem>> -> memref<128x128xf32, #tpu.memory_space<vmem>>
      %dma_start3A_274 = arith.constant 0 : i32
      %dma_start3A_275 = tpu.memref_slice %arg8[%add3A_266, %dma_start3A_274] : memref<10240x128xf32, #tpu.memory_space<vmem_shared>> -> memref<128x128xf32, #tpu.memory_space<vmem_shared>>
      tpu.enqueue_dma source(%dma_start3A_275 : memref<128x128xf32, #tpu.memory_space<vmem_shared>>) target(%dma_start3A_273 : memref<128x128xf32, #tpu.memory_space<vmem>>) target_semaphore(%run_scoped3A : memref<!tpu.dma_semaphore, #tpu.memory_space<semaphore_mem>>)
      %dma_wait3A = arith.constant 0 : i32
      %dma_wait3A_276 = arith.constant 0 : i32
      %dma_wait3A_277 = tpu.memref_slice %arg12[%dma_wait3A, %dma_wait3A_276] : memref<128x128xf32, #tpu.memory_space<vmem>> -> memref<128x128xf32, #tpu.memory_space<vmem>>
      %dma_wait3A_278 = arith.constant 0 : i32
      %dma_wait3A_279 = tpu.memref_slice %arg8[%add3A_266, %dma_wait3A_278] : memref<10240x128xf32, #tpu.memory_space<vmem_shared>> -> memref<128x128xf32, #tpu.memory_space<vmem_shared>>
      %dma_wait3A_280 = arith.constant 0 : i32
      %dma_wait3A_281 = arith.constant 0 : i32
      %dma_wait3A_282 = tpu.memref_slice %arg12[%dma_wait3A_280, %dma_wait3A_281] : memref<128x128xf32, #tpu.memory_space<vmem>> -> memref<128x128xf32, #tpu.memory_space<vmem>>
      %dma_wait3A_283 = arith.constant 0 : i32
      %dma_wait3A_284 = tpu.memref_slice %arg8[%add3A_266, %dma_wait3A_283] : memref<10240x128xf32, #tpu.memory_space<vmem_shared>> -> memref<128x128xf32, #tpu.memory_space<vmem_shared>>
      tpu.wait_dma2 semaphore(%run_scoped3A : memref<!tpu.dma_semaphore, #tpu.memory_space<semaphore_mem>>) src(%dma_wait3A_284 : memref<128x128xf32, #tpu.memory_space<vmem_shared>>) dst(%dma_wait3A_282 : memref<128x128xf32, #tpu.memory_space<vmem>>)
      tpu.yield
    }) : () -> ()
    "tpu.region"() ({
      %run_scoped3A = tpu.sem_alloc : memref<!tpu.dma_semaphore, #tpu.memory_space<semaphore_mem>>
      %dma_start3A = arith.constant 0 : i32
      %dma_start3A_267 = arith.constant 0 : i32
      %dma_start3A_268 = tpu.memref_slice %arg12[%dma_start3A, %dma_start3A_267] : memref<128x128xf32, #tpu.memory_space<vmem>> -> memref<128x128xf32, #tpu.memory_space<vmem>>
      %dma_start3A_269 = arith.constant 0 : i32
      %dma_start3A_270 = arith.constant 0 : i32
      %dma_start3A_271 = tpu.memref_slice %arg6[%arg0, %dma_start3A_269, %dma_start3A_270] : memref<2x10240x128xf32, #tpu.memory_space<hbm>> -> memref<1x10240x128xf32, #tpu.memory_space<hbm>>
      %dma_start3A_272 = tpu.memref_squeeze %dma_start3A_271 : memref<1x10240x128xf32, #tpu.memory_space<hbm>> -> memref<10240x128xf32, #tpu.memory_space<hbm>>
      %dma_start3A_273 = arith.constant 0 : i32
      %dma_start3A_274 = tpu.memref_slice %dma_start3A_272[%add3A_266, %dma_start3A_273] : memref<10240x128xf32, #tpu.memory_space<hbm>> -> memref<128x128xf32, #tpu.memory_space<hbm>>
      %dma_start3A_275 = arith.constant 0 : i32
      %dma_start3A_276 = arith.constant 0 : i32
      %dma_start3A_277 = tpu.memref_slice %arg6[%arg0, %dma_start3A_275, %dma_start3A_276] : memref<2x10240x128xf32, #tpu.memory_space<hbm>> -> memref<1x10240x128xf32, #tpu.memory_space<hbm>>
      %dma_start3A_278 = tpu.memref_squeeze %dma_start3A_277 : memref<1x10240x128xf32, #tpu.memory_space<hbm>> -> memref<10240x128xf32, #tpu.memory_space<hbm>>
      %dma_start3A_279 = arith.constant 0 : i32
      %dma_start3A_280 = tpu.memref_slice %dma_start3A_278[%add3A_266, %dma_start3A_279] : memref<10240x128xf32, #tpu.memory_space<hbm>> -> memref<128x128xf32, #tpu.memory_space<hbm>>
      %dma_start3A_281 = arith.constant 0 : i32
      %dma_start3A_282 = arith.constant 0 : i32
      %dma_start3A_283 = tpu.memref_slice %arg12[%dma_start3A_281, %dma_start3A_282] : memref<128x128xf32, #tpu.memory_space<vmem>> -> memref<128x128xf32, #tpu.memory_space<vmem>>
      tpu.enqueue_dma source(%dma_start3A_283 : memref<128x128xf32, #tpu.memory_space<vmem>>) target(%dma_start3A_280 : memref<128x128xf32, #tpu.memory_space<hbm>>) target_semaphore(%run_scoped3A : memref<!tpu.dma_semaphore, #tpu.memory_space<semaphore_mem>>)
      %dma_wait3A = arith.constant 0 : i32
      %dma_wait3A_284 = arith.constant 0 : i32
      %dma_wait3A_285 = tpu.memref_slice %arg12[%dma_wait3A, %dma_wait3A_284] : memref<128x128xf32, #tpu.memory_space<vmem>> -> memref<128x128xf32, #tpu.memory_space<vmem>>
      %dma_wait3A_286 = arith.constant 0 : i32
      %dma_wait3A_287 = arith.constant 0 : i32
      %dma_wait3A_288 = tpu.memref_slice %arg6[%arg0, %dma_wait3A_286, %dma_wait3A_287] : memref<2x10240x128xf32, #tpu.memory_space<hbm>> -> memref<1x10240x128xf32, #tpu.memory_space<hbm>>
      %dma_wait3A_289 = tpu.memref_squeeze %dma_wait3A_288 : memref<1x10240x128xf32, #tpu.memory_space<hbm>> -> memref<10240x128xf32, #tpu.memory_space<hbm>>
      %dma_wait3A_290 = arith.constant 0 : i32
      %dma_wait3A_291 = tpu.memref_slice %dma_wait3A_289[%add3A_266, %dma_wait3A_290] : memref<10240x128xf32, #tpu.memory_space<hbm>> -> memref<128x128xf32, #tpu.memory_space<hbm>>
      %dma_wait3A_292 = arith.constant 0 : i32
      %dma_wait3A_293 = arith.constant 0 : i32
      %dma_wait3A_294 = tpu.memref_slice %arg6[%arg0, %dma_wait3A_292, %dma_wait3A_293] : memref<2x10240x128xf32, #tpu.memory_space<hbm>> -> memref<1x10240x128xf32, #tpu.memory_space<hbm>>
      %dma_wait3A_295 = tpu.memref_squeeze %dma_wait3A_294 : memref<1x10240x128xf32, #tpu.memory_space<hbm>> -> memref<10240x128xf32, #tpu.memory_space<hbm>>
      %dma_wait3A_296 = arith.constant 0 : i32
      %dma_wait3A_297 = tpu.memref_slice %dma_wait3A_295[%add3A_266, %dma_wait3A_296] : memref<10240x128xf32, #tpu.memory_space<hbm>> -> memref<128x128xf32, #tpu.memory_space<hbm>>
      %dma_wait3A_298 = arith.constant 0 : i32
      %dma_wait3A_299 = arith.constant 0 : i32
      %dma_wait3A_300 = tpu.memref_slice %arg12[%dma_wait3A_298, %dma_wait3A_299] : memref<128x128xf32, #tpu.memory_space<vmem>> -> memref<128x128xf32, #tpu.memory_space<vmem>>
      tpu.wait_dma2 semaphore(%run_scoped3A : memref<!tpu.dma_semaphore, #tpu.memory_space<semaphore_mem>>) src(%dma_wait3A_300 : memref<128x128xf32, #tpu.memory_space<vmem>>) dst(%dma_wait3A_297 : memref<128x128xf32, #tpu.memory_space<hbm>>)
      tpu.yield
    }) : () -> ()
    "tpu.region"() ({
      %run_scoped3A = tpu.sem_alloc : memref<!tpu.dma_semaphore, #tpu.memory_space<semaphore_mem>>
      %dma_start3A = tpu.memref_slice %arg9[%mul3A_2] : memref<10240xf32, #tpu.memory_space<vmem_shared>> -> memref<640xf32, #tpu.memory_space<vmem_shared>>
      %dma_start3A_267 = tpu.memref_slice %arg9[%mul3A_2] : memref<10240xf32, #tpu.memory_space<vmem_shared>> -> memref<640xf32, #tpu.memory_space<vmem_shared>>
      tpu.enqueue_dma source(%dma_start3A_267 : memref<640xf32, #tpu.memory_space<vmem_shared>>) target(%arg13 : memref<640xf32, #tpu.memory_space<vmem>>) target_semaphore(%run_scoped3A : memref<!tpu.dma_semaphore, #tpu.memory_space<semaphore_mem>>)
      %dma_wait3A = tpu.memref_slice %arg9[%mul3A_2] : memref<10240xf32, #tpu.memory_space<vmem_shared>> -> memref<640xf32, #tpu.memory_space<vmem_shared>>
      %dma_wait3A_268 = tpu.memref_slice %arg9[%mul3A_2] : memref<10240xf32, #tpu.memory_space<vmem_shared>> -> memref<640xf32, #tpu.memory_space<vmem_shared>>
      tpu.wait_dma2 semaphore(%run_scoped3A : memref<!tpu.dma_semaphore, #tpu.memory_space<semaphore_mem>>) src(%dma_wait3A_268 : memref<640xf32, #tpu.memory_space<vmem_shared>>) dst(%arg13 : memref<640xf32, #tpu.memory_space<vmem>>)
      tpu.yield
    }) : () -> ()
    "tpu.region"() ({
      %run_scoped3A = tpu.sem_alloc : memref<!tpu.dma_semaphore, #tpu.memory_space<semaphore_mem>>
      %dma_start3A = arith.constant 0 : i32
      %dma_start3A_267 = tpu.memref_slice %arg7[%arg0, %dma_start3A] : memref<2x10240xf32, #tpu.memory_space<hbm>> -> memref<1x10240xf32, #tpu.memory_space<hbm>>
      %dma_start3A_268 = tpu.memref_squeeze %dma_start3A_267 : memref<1x10240xf32, #tpu.memory_space<hbm>> -> memref<10240xf32, #tpu.memory_space<hbm>>
      %dma_start3A_269 = tpu.memref_slice %dma_start3A_268[%mul3A_2] : memref<10240xf32, #tpu.memory_space<hbm>> -> memref<640xf32, #tpu.memory_space<hbm>>
      %dma_start3A_270 = arith.constant 0 : i32
      %dma_start3A_271 = tpu.memref_slice %arg7[%arg0, %dma_start3A_270] : memref<2x10240xf32, #tpu.memory_space<hbm>> -> memref<1x10240xf32, #tpu.memory_space<hbm>>
      %dma_start3A_272 = tpu.memref_squeeze %dma_start3A_271 : memref<1x10240xf32, #tpu.memory_space<hbm>> -> memref<10240xf32, #tpu.memory_space<hbm>>
      %dma_start3A_273 = tpu.memref_slice %dma_start3A_272[%mul3A_2] : memref<10240xf32, #tpu.memory_space<hbm>> -> memref<640xf32, #tpu.memory_space<hbm>>
      tpu.enqueue_dma source(%arg13 : memref<640xf32, #tpu.memory_space<vmem>>) target(%dma_start3A_273 : memref<640xf32, #tpu.memory_space<hbm>>) target_semaphore(%run_scoped3A : memref<!tpu.dma_semaphore, #tpu.memory_space<semaphore_mem>>)
      %dma_wait3A = arith.constant 0 : i32
      %dma_wait3A_274 = tpu.memref_slice %arg7[%arg0, %dma_wait3A] : memref<2x10240xf32, #tpu.memory_space<hbm>> -> memref<1x10240xf32, #tpu.memory_space<hbm>>
      %dma_wait3A_275 = tpu.memref_squeeze %dma_wait3A_274 : memref<1x10240xf32, #tpu.memory_space<hbm>> -> memref<10240xf32, #tpu.memory_space<hbm>>
      %dma_wait3A_276 = tpu.memref_slice %dma_wait3A_275[%mul3A_2] : memref<10240xf32, #tpu.memory_space<hbm>> -> memref<640xf32, #tpu.memory_space<hbm>>
      %dma_wait3A_277 = arith.constant 0 : i32
      %dma_wait3A_278 = tpu.memref_slice %arg7[%arg0, %dma_wait3A_277] : memref<2x10240xf32, #tpu.memory_space<hbm>> -> memref<1x10240xf32, #tpu.memory_space<hbm>>
      %dma_wait3A_279 = tpu.memref_squeeze %dma_wait3A_278 : memref<1x10240xf32, #tpu.memory_space<hbm>> -> memref<10240xf32, #tpu.memory_space<hbm>>
      %dma_wait3A_280 = tpu.memref_slice %dma_wait3A_279[%mul3A_2] : memref<10240xf32, #tpu.memory_space<hbm>> -> memref<640xf32, #tpu.memory_space<hbm>>
      tpu.wait_dma2 semaphore(%run_scoped3A : memref<!tpu.dma_semaphore, #tpu.memory_space<semaphore_mem>>) src(%arg13 : memref<640xf32, #tpu.memory_space<vmem>>) dst(%dma_wait3A_280 : memref<640xf32, #tpu.memory_space<hbm>>)
      tpu.yield
    }) : () -> ()
    return
  }
}

module attributes {stable_mosaic.version = 14 : i64} {
  func.func @body(%arg0: i32, %arg1: memref<1000x128xf32, #tpu.memory_space<vmem>>, %arg2: memref<2x1000x128xf32, #tpu.memory_space<vmem>>, %arg3: memref<1000x1xf32, #tpu.memory_space<vmem>>, %arg4: memref<1000x1xf32, #tpu.memory_space<vmem>>, %arg5: memref<128x128xf32, #tpu.memory_space<vmem>>, %arg6: memref<128x128xf32, #tpu.memory_space<vmem>>, %arg7: memref<1x128xf32, #tpu.memory_space<vmem>>, %arg8: memref<1x128xf32, #tpu.memory_space<vmem>>, %arg9: memref<128x128xf32, #tpu.memory_space<vmem>>, %arg10: memref<1x128xf32, #tpu.memory_space<vmem>>, %arg11: memref<128x1xf32, #tpu.memory_space<vmem>>, %arg12: memref<1x1xf32, #tpu.memory_space<vmem>>, %arg13: memref<1000x1xf32, #tpu.memory_space<vmem>>) attributes {dimension_semantics = [#tpu.dimension_semantics<arbitrary>], iteration_bounds = array<i64: 10>, scalar_prefetch = 0 : i64, scratch_operands = 0 : i64, tpu.core_type = #tpu.core_type<tc>, window_params = [{transform_indices = @transform_0, window_bounds = array<i64: 1000, 128>}, {transform_indices = @transform_1, window_bounds = array<i64: 2, 1000, 128>}, {transform_indices = @transform_2, window_bounds = array<i64: 1000, 1>}, {transform_indices = @transform_3, window_bounds = array<i64: 1000, 1>}, {pipeline_mode = #tpu.pipeline_mode<synchronous>, transform_indices = @transform_4, window_bounds = array<i64: 128, 128>}, {pipeline_mode = #tpu.pipeline_mode<synchronous>, transform_indices = @transform_5, window_bounds = array<i64: 128, 128>}, {pipeline_mode = #tpu.pipeline_mode<synchronous>, transform_indices = @transform_6, window_bounds = array<i64: 1, 128>}, {pipeline_mode = #tpu.pipeline_mode<synchronous>, transform_indices = @transform_7, window_bounds = array<i64: 1, 128>}, {pipeline_mode = #tpu.pipeline_mode<synchronous>, transform_indices = @transform_8, window_bounds = array<i64: 128, 128>}, {pipeline_mode = #tpu.pipeline_mode<synchronous>, transform_indices = @transform_9, window_bounds = array<i64: 1, 128>}, {pipeline_mode = #tpu.pipeline_mode<synchronous>, transform_indices = @transform_10, window_bounds = array<i64: 128, 1>}, {pipeline_mode = #tpu.pipeline_mode<synchronous>, transform_indices = @transform_11, window_bounds = array<i64: 1, 1>}, {transform_indices = @transform_12, window_bounds = array<i64: 1000, 1>}]} {
    %get3A = arith.constant 0 : index
    %get3A_0 = arith.constant 0 : index
    %get3A_1 = arith.constant 0 : index
    %get3A_2 = vector.load %arg2[%get3A, %get3A_0, %get3A_1] : memref<2x1000x128xf32, #tpu.memory_space<vmem>>, vector<1x1000x128xf32>
    %get3A_3 = vector.shape_cast %get3A_2 : vector<1x1000x128xf32> to vector<1000x128xf32>
    %get3A_4 = arith.constant 1 : index
    %get3A_5 = arith.constant 0 : index
    %get3A_6 = arith.constant 0 : index
    %get3A_7 = vector.load %arg2[%get3A_4, %get3A_5, %get3A_6] : memref<2x1000x128xf32, #tpu.memory_space<vmem>>, vector<1x1000x128xf32>
    %get3A_8 = vector.shape_cast %get3A_7 : vector<1x1000x128xf32> to vector<1000x128xf32>
    %add3A = arith.addf %get3A_3, %get3A_8 : vector<1000x128xf32>
    %get3A_9 = arith.constant 0 : index
    %get3A_10 = arith.constant 0 : index
    %get3A_11 = vector.load %arg3[%get3A_9, %get3A_10] : memref<1000x1xf32, #tpu.memory_space<vmem>>, vector<1000x1xf32>
    %get3A_12 = arith.constant 0 : index
    %get3A_13 = arith.constant 0 : index
    %get3A_14 = vector.load %arg4[%get3A_12, %get3A_13] : memref<1000x1xf32, #tpu.memory_space<vmem>>, vector<1000x1xf32>
    %add3A_15 = arith.addf %get3A_11, %get3A_14 : vector<1000x1xf32>
    %get3A_16 = arith.constant 0 : index
    %get3A_17 = arith.constant 0 : index
    %get3A_18 = vector.load %arg1[%get3A_16, %get3A_17] : memref<1000x128xf32, #tpu.memory_space<vmem>>, vector<1000x128xf32>
    %get3A_19 = arith.constant 0 : index
    %get3A_20 = arith.constant 0 : index
    %get3A_21 = vector.load %arg5[%get3A_19, %get3A_20] : memref<128x128xf32, #tpu.memory_space<vmem>>, vector<128x128xf32>
    %dot_general3A = arith.constant dense<0.000000e+00> : vector<1000x128xf32>
    %dot_general3A_22 = tpu.matmul %get3A_18, %get3A_21, %dot_general3A {dimension_numbers = #tpu.dot_dimension_numbers<[1], [0], [0], [1], [0, 0, 1, 1], [], []>, transpose_lhs_hint = false} : vector<1000x128xf32>, vector<128x128xf32>, vector<1000x128xf32> -> vector<1000x128xf32>
    %get3A_23 = arith.constant 0 : index
    %get3A_24 = arith.constant 0 : index
    %get3A_25 = vector.load %arg6[%get3A_23, %get3A_24] : memref<128x128xf32, #tpu.memory_space<vmem>>, vector<128x128xf32>
    %dot_general3A_26 = arith.constant dense<0.000000e+00> : vector<1000x128xf32>
    %dot_general3A_27 = tpu.matmul %add3A, %get3A_25, %dot_general3A_26 {dimension_numbers = #tpu.dot_dimension_numbers<[1], [0], [0], [1], [0, 0, 1, 1], [], []>, transpose_lhs_hint = false} : vector<1000x128xf32>, vector<128x128xf32>, vector<1000x128xf32> -> vector<1000x128xf32>
    %add3A_28 = arith.addf %dot_general3A_22, %dot_general3A_27 : vector<1000x128xf32>
    %get3A_29 = arith.constant 0 : index
    %get3A_30 = arith.constant 0 : index
    %get3A_31 = vector.load %arg7[%get3A_29, %get3A_30] : memref<1x128xf32, #tpu.memory_space<vmem>>, vector<1x128xf32>
    %mul3A = vector.broadcast %add3A_15 : vector<1000x1xf32> to vector<1000x128xf32>
    %mul3A_32 = vector.broadcast %get3A_31 : vector<1x128xf32> to vector<1000x128xf32>
    %mul3A_33 = arith.mulf %mul3A, %mul3A_32 : vector<1000x128xf32>
    %add3A_34 = arith.addf %add3A_28, %mul3A_33 : vector<1000x128xf32>
    %get3A_35 = arith.constant 0 : index
    %get3A_36 = arith.constant 0 : index
    %get3A_37 = vector.load %arg8[%get3A_35, %get3A_36] : memref<1x128xf32, #tpu.memory_space<vmem>>, vector<1x128xf32>
    %add3A_38 = vector.broadcast %get3A_37 : vector<1x128xf32> to vector<1000x128xf32>
    %add3A_39 = arith.addf %add3A_34, %add3A_38 : vector<1000x128xf32>
    %max3A = arith.constant 0.000000e+00 : f32
    %max3A_40 = vector.broadcast %max3A : f32 to vector<1000x128xf32>
    %max3A_41 = arith.maximumf %add3A_39, %max3A_40 : vector<1000x128xf32>
    %get3A_42 = arith.constant 0 : index
    %get3A_43 = arith.constant 0 : index
    %get3A_44 = vector.load %arg9[%get3A_42, %get3A_43] : memref<128x128xf32, #tpu.memory_space<vmem>>, vector<128x128xf32>
    %dot_general3A_45 = arith.constant dense<0.000000e+00> : vector<1000x128xf32>
    %dot_general3A_46 = tpu.matmul %max3A_41, %get3A_44, %dot_general3A_45 {dimension_numbers = #tpu.dot_dimension_numbers<[1], [0], [0], [1], [0, 0, 1, 1], [], []>, transpose_lhs_hint = false} : vector<1000x128xf32>, vector<128x128xf32>, vector<1000x128xf32> -> vector<1000x128xf32>
    %get3A_47 = arith.constant 0 : index
    %get3A_48 = arith.constant 0 : index
    %get3A_49 = vector.load %arg10[%get3A_47, %get3A_48] : memref<1x128xf32, #tpu.memory_space<vmem>>, vector<1x128xf32>
    %add3A_50 = vector.broadcast %get3A_49 : vector<1x128xf32> to vector<1000x128xf32>
    %add3A_51 = arith.addf %dot_general3A_46, %add3A_50 : vector<1000x128xf32>
    %max3A_52 = arith.constant 0.000000e+00 : f32
    %max3A_53 = vector.broadcast %max3A_52 : f32 to vector<1000x128xf32>
    %max3A_54 = arith.maximumf %add3A_51, %max3A_53 : vector<1000x128xf32>
    %get3A_55 = arith.constant 0 : index
    %get3A_56 = arith.constant 0 : index
    %get3A_57 = vector.load %arg11[%get3A_55, %get3A_56] : memref<128x1xf32, #tpu.memory_space<vmem>>, vector<128x1xf32>
    %dot_general3A_58 = arith.constant dense<0.000000e+00> : vector<1000x1xf32>
    %dot_general3A_59 = tpu.matmul %max3A_54, %get3A_57, %dot_general3A_58 {dimension_numbers = #tpu.dot_dimension_numbers<[1], [0], [0], [1], [0, 0, 1, 1], [], []>, transpose_lhs_hint = false} : vector<1000x128xf32>, vector<128x1xf32>, vector<1000x1xf32> -> vector<1000x1xf32>
    %get3A_60 = arith.constant 0 : index
    %get3A_61 = arith.constant 0 : index
    %get3A_62 = vector.load %arg12[%get3A_60, %get3A_61] : memref<1x1xf32, #tpu.memory_space<vmem>>, vector<1x1xf32>
    %add3A_63 = vector.broadcast %get3A_62 : vector<1x1xf32> to vector<1000x1xf32>
    %add3A_64 = arith.addf %dot_general3A_59, %add3A_63 : vector<1000x1xf32>
    %swap3A = arith.constant 0 : index
    %swap3A_65 = arith.constant 0 : index
    %swap3A_66 = vector.load %arg13[%swap3A, %swap3A_65] : memref<1000x1xf32, #tpu.memory_space<vmem>>, vector<1000x1xf32>
    tpu.vector_store %arg13[%swap3A, %swap3A_65], %add3A_64 {strides = array<i32>} : memref<1000x1xf32, #tpu.memory_space<vmem>>, vector<1000x1xf32>,
    return
  }
  func.func @transform_0(%arg0: i32) -> (i32, i32) {
    %c0_i32 = arith.constant 0 : i32
    %c0_i32_0 = arith.constant 0 : i32
    return %arg0, %c0_i32 : i32, i32
  }
  func.func @transform_1(%arg0: i32) -> (i32, i32, i32) {
    %c0_i32 = arith.constant 0 : i32
    %c0_i32_0 = arith.constant 0 : i32
    %c0_i32_1 = arith.constant 0 : i32
    return %c0_i32, %arg0, %c0_i32_0 : i32, i32, i32
  }
  func.func @transform_2(%arg0: i32) -> (i32, i32) {
    %c0_i32 = arith.constant 0 : i32
    %c0_i32_0 = arith.constant 0 : i32
    return %arg0, %c0_i32 : i32, i32
  }
  func.func @transform_3(%arg0: i32) -> (i32, i32) {
    %c0_i32 = arith.constant 0 : i32
    %c0_i32_0 = arith.constant 0 : i32
    return %arg0, %c0_i32 : i32, i32
  }
  func.func @transform_4(%arg0: i32) -> (i32, i32) {
    %c0_i32 = arith.constant 0 : i32
    %c0_i32_0 = arith.constant 0 : i32
    %c0_i32_1 = arith.constant 0 : i32
    return %c0_i32, %c0_i32_0 : i32, i32
  }
  func.func @transform_5(%arg0: i32) -> (i32, i32) {
    %c0_i32 = arith.constant 0 : i32
    %c0_i32_0 = arith.constant 0 : i32
    %c0_i32_1 = arith.constant 0 : i32
    return %c0_i32, %c0_i32_0 : i32, i32
  }
  func.func @transform_6(%arg0: i32) -> (i32, i32) {
    %c0_i32 = arith.constant 0 : i32
    %c0_i32_0 = arith.constant 0 : i32
    %c0_i32_1 = arith.constant 0 : i32
    return %c0_i32, %c0_i32_0 : i32, i32
  }
  func.func @transform_7(%arg0: i32) -> (i32, i32) {
    %c0_i32 = arith.constant 0 : i32
    %c0_i32_0 = arith.constant 0 : i32
    %c0_i32_1 = arith.constant 0 : i32
    return %c0_i32, %c0_i32_0 : i32, i32
  }
  func.func @transform_8(%arg0: i32) -> (i32, i32) {
    %c0_i32 = arith.constant 0 : i32
    %c0_i32_0 = arith.constant 0 : i32
    %c0_i32_1 = arith.constant 0 : i32
    return %c0_i32, %c0_i32_0 : i32, i32
  }
  func.func @transform_9(%arg0: i32) -> (i32, i32) {
    %c0_i32 = arith.constant 0 : i32
    %c0_i32_0 = arith.constant 0 : i32
    %c0_i32_1 = arith.constant 0 : i32
    return %c0_i32, %c0_i32_0 : i32, i32
  }
  func.func @transform_10(%arg0: i32) -> (i32, i32) {
    %c0_i32 = arith.constant 0 : i32
    %c0_i32_0 = arith.constant 0 : i32
    %c0_i32_1 = arith.constant 0 : i32
    return %c0_i32, %c0_i32_0 : i32, i32
  }
  func.func @transform_11(%arg0: i32) -> (i32, i32) {
    %c0_i32 = arith.constant 0 : i32
    %c0_i32_0 = arith.constant 0 : i32
    %c0_i32_1 = arith.constant 0 : i32
    return %c0_i32, %c0_i32_0 : i32, i32
  }
  func.func @transform_12(%arg0: i32) -> (i32, i32) {
    %c0_i32 = arith.constant 0 : i32
    %c0_i32_0 = arith.constant 0 : i32
    return %arg0, %c0_i32 : i32, i32
  }
}

</mosaic_0001>

<sc_bundles>
// kernel: kernel.4.cloned.1.call-start
scs
__scs_entry_jumppad:
0x0: {  	(pc) =	sbr.rel $0x88, $3  }
0x1: {  	(tag) =	ssettag $0x0;
	lr =	simm.s32 $0x1  }
0x2: {  	[smem:$0x3F98] =	sst lr;
	_ =	strace $0xD0000000  }
0x3: {  	_ = 	snop  }
0x4: {  	_ = 	snop  }
0x5: {  	_ = 	snop  }
0x6: {  	_ = 	snop  }
0x7: {  	_ = 	snop  }
__scs_overlays_trampoline_lowered:
0x8: {  	[smem:$0x3FA7] =	sst s0  }
0x9: {  	[smem:$0x3FA8] =	sst s1  }
0xa: {  	[smem:$0x3FA9] =	sst s2  }
0xb: {  	[smem:$0x3FAA] =	sst s3  }
0xc: {  	[smem:$0x3FAB] =	sst s4  }
0xd: {  	[smem:$0x3FAC] =	sst s5  }
0xe: {  	[smem:$0x3FAD] =	sst s6  }
0xf: {  	[smem:$0x3FAE] =	sst s7  }
0x10: {  	[smem:$0x3FAF] =	sst s8  }
0x11: {  	[smem:$0x3FB0] =	sst s9;
	s0 =	simm.s32 @!p0 $0x0  }
0x12: {  	s1 =	sld [smem:$0x3F96];
	s0 =	simm.s32 @p0 $0x1  }
0x13: {  	[smem:$0x3FB1] =	sst s0;
	s0 =	simm.s32 @!p1 $0x0  }
0x14: {  	s2 =	sld [smem:$0x3F95];
	s0 =	simm.s32 @p1 $0x1  }
0x15: {  	[smem:$0x3FB2] =	sst s0;
	s0 =	simm.s32 @!p2 $0x0  }
0x16: {  	s3 =	sld [smem:$0x3FDB];
	s0 =	simm.s32 @p2 $0x1  }
0x17: {  	s4 =	simm.s32 $0x1BF5;
	[smem:$0x3FB4] =	sst s0  }
0x18: {  	s0 =	sld [smem:$0x3F97];
	_ =	swait.ge [sflag:s4], $0x0  }
0x19: {  	s7 =	sld [smem:$0x3F98]  }
0x1a: {  	s8 =	sadd.s32 $0xFFFFE003, lr  }
0x1b: {  	s9 =	sadd.s32 $0xFFFFFEF7, lr;
	s5 =	simm.s32 $0xFFFFFFFF;
	p2 =	slt.u32 s8, $0xFFFFF086  }
0x1c: {  	p1 =	slt.u32 s9, $0xF7A;
	s5 =	simm.s32 @!p2 $0x0  }
0x1d: {  	s5 =	simm.s32 @p1 $0x1;
	p0 =	seq.s32 s7, s2  }
0x1e: {  	s7 =	smul.u32 @!p0 $0xF7A, s2;
	p2 =	seq.s32 @!p0 s5, $0x0  }
0x1f: {  	s9 =	smul.u32 $0xF7A, s1;
	s8 =	simm.s32 @!p0 $0x1BF5;
	p2 =	por !p2, p0  }
0x20: {  	[sflag:s8] =	ssyncset.s32 @!p0 $0xFFFFF086;
	s6 =	sadd.s32 @!p0 s3, s7;
	s7 =	simm.s32 @!p0 $0x108  }
0x21: {  	s3 =	sadd.s32 s3, s9;
	s6 =	sadd.s32 @!p0 $0x88, s6;
	s7 =	simm.s32 @p2 $0x1082  }
0x22: {  	[simem:s7], [sflag:s8] =	dma.local @!p0 [hbm:s6], $0xF7A  }
0x23: {  	s9 =	sor.u32 $0xD0000000, s2;
	s6 =	simm.s32 $0x108;
	_ =	swait.ge @!p0 [sflag:s8], $0x0  }
0x24: {  	s3 =	sadd.s32 $0x88, s3;
	s6 =	simm.s32 @!p1 $0x1082;
	[sflag:s4] =	ssyncset.s32 $0xFFFFF086  }
0x25: {  	[simem:s6], [sflag:s4] =	dma.local [hbm:s3], $0xF7A  }
0x26: {  	[smem:$0x3F98] =	sst s1;
	(tag) =	ssettag s2;
	_ =	strace s9  }
0x27: {  	s1 =	sld [smem:$0x3FA8]  }
0x28: {  	s2 =	sld [smem:$0x3FA9]  }
0x29: {  	s4 =	sld [smem:$0x3FAB]  }
0x2a: {  	p0 =	seq.s32 s5, $0x0;
	s5 =	sld [smem:$0x3FAC]  }
0x2b: {  	s6 =	sld [smem:$0x3FAD]  }
0x2c: {  	s7 =	sld [smem:$0x3FAE]  }
0x2d: {  	s3 =	simm.s32 $0x108;
	s8 =	sld [smem:$0x3FAF]  }
0x2e: {  	s3 =	simm.s32 @!p0 $0x1082;
	s9 =	sld [smem:$0x3FB0]  }
0x2f: {  	lr =	sadd.s32 s0, s3;
	s0 =	sld [smem:$0x3FA7]  }
0x30: {  	s3 =	sld [smem:$0x3FAA]  }
0x31: {  	[smem:$0x3FB3] =	sst s10  }
0x32: {  	s10 =	sld [smem:$0x3FB1];
	_ =	sdelay $0x3  }
0x33: {  	p0 =	seq.s32 s10, $0x1;
	s10 =	sld [smem:$0x3FB3];
	_ =	sdelay $0x3  }
0x34: {  	[smem:$0x3FB3] =	sst s10  }
0x35: {  	s10 =	sld [smem:$0x3FB2];
	_ =	sdelay $0x3  }
0x36: {  	p1 =	seq.s32 s10, $0x1;
	s10 =	sld [smem:$0x3FB3];
	_ =	sdelay $0x3  }
0x37: {  	[smem:$0x3FB3] =	sst s10  }
0x38: {  	s10 =	sld [smem:$0x3FB4]  }
0x39: {  	_ = 	snop;
	(pc) =	sbr.ind lr, $3  }
0x3a: {  	_ = 	snop  }
0x3b: {  	_ = 	snop  }
0x3c: {  	p2 =	seq.s32 s10, $0x1;
	s10 =	sld [smem:$0x3FB3]  }
0x3d: {  	_ =	shalt  }
0x3e: {  	_ =	shalt  }
0x3f: {  	_ =	shalt  }
0x40: {  	_ =	shalt  }
0x41: {  	_ =	shalt  }
0x42: {  	_ =	shalt  }
0x43: {  	_ =	shalt  }
0x44: {  	_ =	shalt  }
0x45: {  	_ =	shalt  }
0x46: {  	_ =	shalt  }
0x47: {  	_ =	shalt  }
0x48: {  	_ =	shalt  }
0x49: {  	_ =	shalt  }
0x4a: {  	_ =	shalt  }
0x4b: {  	_ =	shalt  }
0x4c: {  	_ =	shalt  }
0x4d: {  	_ =	shalt  }
0x4e: {  	_ =	shalt  }
0x4f: {  	_ =	shalt  }
0x50: {  	_ =	shalt  }
0x51: {  	_ =	shalt  }
0x52: {  	_ =	shalt  }
0x53: {  	_ =	shalt  }
0x54: {  	_ =	shalt  }
0x55: {  	_ =	shalt  }
0x56: {  	_ =	shalt  }
0x57: {  	_ =	shalt  }
0x58: {  	_ =	shalt  }
0x59: {  	_ =	shalt  }
0x5a: {  	_ =	shalt  }
0x5b: {  	_ =	shalt  }
0x5c: {  	_ =	shalt  }
0x5d: {  	_ =	shalt  }
0x5e: {  	_ =	shalt  }
0x5f: {  	_ =	shalt  }
0x60: {  	_ =	shalt  }
0x61: {  	_ =	shalt  }
0x62: {  	_ =	shalt  }
0x63: {  	_ =	shalt  }
0x64: {  	_ =	shalt  }
0x65: {  	_ =	shalt  }
0x66: {  	_ =	shalt  }
0x67: {  	_ =	shalt  }
0x68: {  	_ =	shalt  }
0x69: {  	_ =	shalt  }
0x6a: {  	_ =	shalt  }
0x6b: {  	_ =	shalt  }
0x6c: {  	_ =	shalt  }
0x6d: {  	_ =	shalt  }
0x6e: {  	_ =	shalt  }
0x6f: {  	_ =	shalt  }
0x70: {  	_ =	shalt  }
0x71: {  	_ =	shalt  }
0x72: {  	_ =	shalt  }
0x73: {  	_ =	shalt  }
0x74: {  	_ =	shalt  }
0x75: {  	_ =	shalt  }
0x76: {  	_ =	shalt  }
0x77: {  	_ =	shalt  }
0x78: {  	_ =	shalt  }
0x79: {  	_ =	shalt  }
0x7a: {  	_ =	shalt  }
0x7b: {  	_ =	shalt  }
0x7c: {  	_ =	shalt  }
0x7d: {  	_ =	shalt  }
0x7e: {  	_ =	shalt  }
0x7f: {  	_ =	shalt  }
0x80: {  	_ =	shalt  }
0x81: {  	_ =	shalt  }
0x82: {  	_ =	shalt  }
0x83: {  	_ =	shalt  }
0x84: {  	_ =	shalt  }
0x85: {  	_ =	shalt  }
0x86: {  	_ =	shalt  }
0x87: {  	_ =	shalt  }
.Lfunc_end0:
.L_simem_size_0:
called_computation_lowered:
.L_overlay_start_0:
0x88: {  	s2 =	sld [smem:$0x3FD9]  }
0x89: {  	s3 =	sld [smem:$0x3FFE];
	_ =	sdelay $0x1  }
0x8a: {  	s1 =	srdreg.scid  }
0x8b: {  	s0 =	sand.u32 $0x1, s1  }
0x8c: {  	s17 =	sshll.u32 s0, $0xA;
	s2 =	sadd.s32 s3, s2  }
0x8d: {  	s2 =	sadd.s32 s2, s17  }
0x8e: {  	[smem:$0x3FBF] =	sst s2  }
0x8f: {  	_ = 	snop  }
0x90: {  	s2 =	sld [smem:$0x3FC9];
	(tm) =	ssettm $0x1  }
0x91: {  	s18 =	sld [smem:$0x3FFB];
	_ =	sdelay $0x3  }
0x92: {  	_ =	strace s18  }
0x93: {  	s3 =	sld [smem:$0x3FFC];
	_ =	sdelay $0x3  }
0x94: {  	_ =	strace s3  }
0x95: {  	s3 =	sld [smem:$0x3FFD];
	_ =	sdelay $0x3  }
0x96: {  	_ =	strace s3  }
0x97: {  	_ =	strace $0x8FFFFFFF  }
0x98: {  	s19 =	sld [smem:$0x3FDB];
	_ =	sdelay $0x1  }
0x99: {  	s4 =	simm.s32 $_scs_section_size  }
0x9a: {  	s5 =	simm.s32 $_size__tile_overlayer_lowered;
	s6 =	simm.s32 $_tile_overlayer_lowered  }
0x9b: {  	s22 =	simm.s32 $0x1BFF;
	s21 =	sshll.u32 s6, $0x1;
	s3 =	sadd.s32 s4, s19  }
0x9c: {  	s7 =	simm.s32 $0x0;
	s20 =	sshll.u32 s5, $0x1;
	s5 =	sadd.s32 s21, s3  }
0x9d: {  	[timem:s7], [sflag:s22] =	dma.local [hbm:s5], s20  }
0x9e: {  	_ =	swait.ge [sflag:s22], s20  }
0x9f: {  	s4 =	ssub.s32 $0x0, s20;
	[sflag:s22] =	ssyncset.done $0x0  }
0xa0: {  	[sflag:s22] =	ssyncadd.s32 s4;
	_ =	sdelay $0x1  }
0xa1: {  	s23 =	simm.s32 $0x1B8B  }
0xa2: {  	_ =	swait.ge [sflag:s23], $0x1  }
0xa3: {  	[sflag:s23] =	ssyncset.done $0x0  }
0xa4: {  	s25 =	simm.s32 $0x1B8E;
	s24 =	sld [smem:$0x3FFE];
	[sflag:s23] =	ssyncadd.s32 $0xFFFFFFFF  }
0xa5: {  	s26 =	simm.s32 $execute0_lowered;
	[smem:$0x3FD2] =	sst s25  }
0xa6: {  	s5 =	sshll.u32 s26, $0x1;
	_ =	strace $0x80000046;
	[dreg:$0x1] =	wrdreg $0xFFFFFFFF  }
0xa7: {  	s28 =	simm.s32 $_size_execute0_lowered;
	s3 =	sadd.s32 s3, s5;
	[dreg:$0x0] =	wrdreg $0x0  }
0xa8: {  	s5 =	sshll.u32 s28, $0x1;
	[dreg:$0x2] =	wrdreg s3  }
0xa9: {  	[dreg:$0x3] =	wrdreg s5  }
0xaa: {  	[dreg:$0x4] =	wrdreg $0xC0  }
0xab: {  	_ =	task [dreg:s7], $0x5FFFF  }
0xac: {  	[dreg:$0x1] =	wrdreg $0xFFFFFFFF  }
0xad: {  	[dreg:$0x0] =	wrdreg $0x60  }
0xae: {  	[dreg:$0x2] =	wrdreg s2  }
0xaf: {  	[dreg:$0x3] =	wrdreg s24  }
0xb0: {  	[dreg:$0x4] =	wrdreg $0x0  }
0xb1: {  	[dreg:$0x5] =	wrdreg $0x140000  }
0xb2: {  	[dreg:$0x6] =	wrdreg $0x9  }
0xb3: {  	_ =	task.clear_ibuf [dreg:s7], $0x7FFFF;
	_ =	strace $0x90000046  }
0xb4: {  	s29 =	simm.s32 $0x9;
	_ =	strace $0x80000048  }
0xb5: {  	_ =	swait.ge [sflag:s29], $0x1  }
0xb6: {  	[sflag:s29] =	ssyncadd.s32 $0xFFFFFFFF  }
0xb7: {  	_ =	strace $0x90000048  }
0xb8: {  	_ =	sfence  }
0xb9: {  	s30 =	sld [smem:$0x0];
	_ =	sdelay $0x2  }
0xba: {  	s31 =	sshll.u32 s1, $0xD;
	s1 =	sshrl.u32 s1, $0x2  }
0xbb: {  	s3 =	sand.u32 $0x4000, s31;
	s1 =	sadd.s32 s1, s30  }
0xbc: {  	s0 =	sor.u32 s3, s0;
	s1 =	sshll.u32 s1, $0x11  }
0xbd: {  	s0 =	sor.u32 s1, s0  }
0xbe: {  	s0 =	sadd.s32 $0x8F2B, s0  }
0xbf: {  	[sflag:s0] =	ssyncadd.remote.s32 $0x1  }
0xc0: {  	_ =	sfence.sel $0xFFFF  }
0xc1: {  	[dreg:$0x0] =	wrdreg $0xFFFFFFFF;
	(pc) =	sbr.abs _section_cstart, $3  }
0xc2: {  	[dreg:$0x1] =	wrdreg $0xFFFFFFFF  }
0xc3: {  	_ =	task.clear_ibuf [dreg:s7], $0x2FFFF;
	_ =	strace $0x9FFFFFFF  }
0xc4: {  	(tm) =	ssettm $0x7FFFFFFF  }
0xc5: {  	_ =	shalt  }
tec
execute0_lowered:
.L_overlay_start_1:
0x0: {  	(tag) =	ssettag $0x1  }
0x1: {  	s1 =	rddreg [dreg:$0x0]  }
0x2: {  	s0 =	srdreg.scid;
	s2 =	rddreg [dreg:$0x1]  }
0x3: {  	s23 =	stileid.u32;
	s3 =	rddreg [dreg:$0x2]  }
0x4: {  	s4 =	rddreg [dreg:$0x3];
	s28 =	simm.s32 $0x14280;
	s29 =	simm.s32 $0x14380  }
0x5: {  	s30 =	simm.s32 $0x14300;
	s31 =	simm.s32 $0x1;
	s12 =	smul.u32 $0x280, s23  }
0x6: {  	s0 =	sand.u32 $0x1, s0;
	s8 =	sshll.u32 s23, $0x7;
	s19 =	smul.u32 $0x50000, s23  }
0x7: {  	s18 =	sadd.s32 $0x1EC00, s2;
	s26 =	smul.u32 $0x2800, s23;
	s6 =	sshll.u32 s0, $0x4  }
0x8: {  	s8 =	sand.u32 $0x380, s8;
	s17 =	smul.u32 $0x28000, s0;
	s0 =	ssub.s32 $0x2, s0  }
0x9: {  	s5 =	sor.u32 s23, s6;
	s20 =	sshrl.u32 s0, $0x1;
	s16 =	sadd.s32 $0x80, s12  }
0xa: {  	s21 =	sshrl.u32 s19, $0x2;
	s24 =	sadd.s32 $0x100, s12;
	s19 =	sadd.s32 $0x200, s12  }
0xb: {  	s7 =	sshrl.u32 s5, $0x3;
	s5 =	simm.s32 $0x0;
	s15 =	sadd.s32 s17, s2  }
0xc: {  	s0 =	ssub.s32 s0, s20;
	s22 =	sshll.u32 s16, $0x7;
	s25 =	sshll.u32 s24, $0x7  }
0xd: {  	s17 =	sadd.s32 $0x180, s12;
	s11 =	sshll.u32 s19, $0x7;
	s12 =	sadd.s32 s12, s4  }
0xe: {  	s20 =	sshll.u32 s16, $0x4;
	s16 =	simm.s32 $0x14400;
	s9 =	smul.u32 $0x27800, s7  }
0xf: {  	s7 =	smul.u32 $0x13C00, s7;
	[smem:$0x7FF] =	sst s5;
	s10 =	sshll.u32 s17, $0x7  }
0x10: {  	s0 =	smax.u32 s0, $0x1;
	_ =	strace $0x80000047;
	[dreg:$0x5] =	wrdreg s18  }
0x11: {  	s11 =	sadd.s32 s11, s3;
	s10 =	sadd.s32 s10, s3;
	[dreg:$0x6] =	wrdreg s0  }
0x12: {  	s0 =	simm.s32 $0x2;
	s9 =	sor.u32 s8, s9;
	s7 =	sor.u32 s8, s7  }
0x13: {  	s8 =	sadd.s32 s22, s3;
	s9 =	sshrl.u32 s9, $0x3;
	s7 =	sshrl.u32 s7, $0x3  }
0x14: {  	s22 =	sshll.u32 s19, $0x4;
	s13 =	sadd.s32 s9, s2;
	s14 =	sadd.s32 s7, s2  }
0x15: {  	s2 =	sadd.s32 s6, s2;
	s7 =	sadd.s32 s21, s3;
	s9 =	sadd.s32 s25, s3  }
0x16: {  	s6 =	sshll.u32 s24, $0x4;
	s21 =	sshll.u32 s17, $0x4;
	s24 =	smul.u32 $0xA0, s23  }
0x17: {  	s17 =	simm.s32 $0x4;
	s23 =	simm.s32 $0x18400;
	s18 =	sadd.s32 $0x1200, s13  }
0x18: {  	s14 =	sadd.s32 $0x14E00, s14;
	s13 =	sadd.s32 $0x1FE00, s15;
	s2 =	sadd.s32 $0x1F400, s2  }
0x19: {  	s25 =	sadd.s32 s26, s13;
	s26 =	sadd.s32 s20, s13;
	s20 =	sadd.s32 s6, s13  }
0x1a: {  	s21 =	sadd.s32 s21, s13;
	s22 =	sadd.s32 s22, s13;
	s24 =	sadd.s32 s24, s2  }
0x1b: {  	s2 =	simm.s32 $0x3;
	s6 =	simm.s32 $0x0;
	[dreg:$0x7] =	wrdreg s25  }
0x1c: {  	v0 =	vimm.f32 $0.0e+00;
	[dreg:$0x8] =	wrdreg s26;
	s25 =	simm.s32 $0x80;
	s26 =	simm.s32 $0x400  }
.LBB2_1:
0x1d: {  	s13 =	rddreg [dreg:$0x5]  }
0x1e: {  	[tilespmem:s16], [sflag:$0x4] =	stream.linear.gather [hbm4b:s13+s5], $0x4000, $0x38;
	[tilespmem:$0x18680] =	vst v63  }
0x1f: {  	_ =	swait.ge [sflag:s17], $0x4000  }
0x20: {  	[sflag:s17] =	ssyncset.done $0x0  }
0x21: {  	[sflag:s17] =	ssyncadd.s32 $0xFFFFC000  }
0x22: {  	[spmem:s7] =	stream.linear.scatter [tilespmem:s16], [sflag:$0x4], $0x4000, $0x38;
	[tilespmem:$0x18680] =	vst v63  }
0x23: {  	_ =	swait.ge [sflag:s17], $0x4000  }
0x24: {  	[sflag:s17] =	ssyncset.done $0x0  }
0x25: {  	[sflag:s17] =	ssyncadd.s32 $0xFFFFC000  }
0x26: {  	[spmem:s8] =	stream.linear.scatter [tilespmem:s16], [sflag:$0x4], $0x4000, $0x38;
	[tilespmem:$0x18680] =	vst v63  }
0x27: {  	_ =	swait.ge [sflag:s17], $0x4000  }
0x28: {  	[sflag:s17] =	ssyncset.done $0x0  }
0x29: {  	[sflag:s17] =	ssyncadd.s32 $0xFFFFC000  }
0x2a: {  	[spmem:s9] =	stream.linear.scatter [tilespmem:s16], [sflag:$0x4], $0x4000, $0x38;
	[tilespmem:$0x18680] =	vst v63  }
0x2b: {  	_ =	swait.ge [sflag:s17], $0x4000  }
0x2c: {  	[sflag:s17] =	ssyncset.done $0x0  }
0x2d: {  	[sflag:s17] =	ssyncadd.s32 $0xFFFFC000  }
0x2e: {  	[spmem:s10] =	stream.linear.scatter [tilespmem:s16], [sflag:$0x4], $0x4000, $0x38;
	[tilespmem:$0x18680] =	vst v63  }
0x2f: {  	_ =	swait.ge [sflag:s17], $0x4000  }
0x30: {  	[sflag:s17] =	ssyncset.done $0x0  }
0x31: {  	[sflag:s17] =	ssyncadd.s32 $0xFFFFC000  }
0x32: {  	[spmem:s11] =	stream.linear.scatter [tilespmem:s16], [sflag:$0x4], $0x4000, $0x38;
	[tilespmem:$0x18680] =	vst v63  }
0x33: {  	_ =	swait.ge [sflag:s17], $0x4000  }
0x34: {  	[sflag:s17] =	ssyncset.done $0x0  }
0x35: {  	[sflag:s17] =	ssyncadd.s32 $0xFFFFC000  }
0x36: {  	[tilespmem:$0x18400] =	vst v0  }
0x37: {  	[tilespmem:$0x18410] =	vst v0  }
0x38: {  	[tilespmem:$0x18420] =	vst v0  }
0x39: {  	[tilespmem:$0x18430] =	vst v0  }
0x3a: {  	[tilespmem:$0x18440] =	vst v0  }
0x3b: {  	[tilespmem:$0x18450] =	vst v0  }
0x3c: {  	[tilespmem:$0x18460] =	vst v0  }
0x3d: {  	[tilespmem:$0x18470] =	vst v0  }
0x3e: {  	[tilespmem:$0x18480] =	vst v0  }
0x3f: {  	[tilespmem:$0x18490] =	vst v0  }
0x40: {  	[tilespmem:$0x184A0] =	vst v0  }
0x41: {  	[tilespmem:$0x184B0] =	vst v0  }
0x42: {  	[tilespmem:$0x184C0] =	vst v0  }
0x43: {  	[tilespmem:$0x184D0] =	vst v0  }
0x44: {  	[tilespmem:$0x184E0] =	vst v0  }
0x45: {  	[tilespmem:$0x184F0] =	vst v0  }
0x46: {  	[tilespmem:$0x18500] =	vst v0  }
0x47: {  	[tilespmem:$0x18510] =	vst v0  }
0x48: {  	[tilespmem:$0x18520] =	vst v0  }
0x49: {  	[tilespmem:$0x18530] =	vst v0  }
0x4a: {  	[tilespmem:$0x18540] =	vst v0  }
0x4b: {  	[tilespmem:$0x18550] =	vst v0  }
0x4c: {  	[tilespmem:$0x18560] =	vst v0  }
0x4d: {  	[tilespmem:$0x18570] =	vst v0  }
0x4e: {  	[tilespmem:$0x18580] =	vst v0  }
0x4f: {  	[tilespmem:$0x18590] =	vst v0  }
0x50: {  	[tilespmem:$0x185A0] =	vst v0  }
0x51: {  	[tilespmem:$0x185B0] =	vst v0  }
0x52: {  	[tilespmem:$0x185C0] =	vst v0  }
0x53: {  	[tilespmem:$0x185D0] =	vst v0  }
0x54: {  	[tilespmem:$0x185E0] =	vst v0  }
0x55: {  	[tilespmem:$0x185F0] =	vst v0  }
0x56: {  	[tilespmem:$0x18600] =	vst v0  }
0x57: {  	[tilespmem:$0x18610] =	vst v0  }
0x58: {  	[tilespmem:$0x18620] =	vst v0  }
0x59: {  	[tilespmem:$0x18630] =	vst v0  }
0x5a: {  	[tilespmem:$0x18640] =	vst v0  }
0x5b: {  	[tilespmem:$0x18650] =	vst v0  }
0x5c: {  	[tilespmem:$0x18660] =	vst v0  }
0x5d: {  	[tilespmem:$0x18670] =	vst v0  }
0x5e: {  	[spmem:s12] =	stream.linear.scatter [tilespmem:s23], [sflag:$0x4], $0x280, $0x38;
	[tilespmem:$0x18680] =	vst v63  }
0x5f: {  	_ =	swait.ge [sflag:s17], $0x280  }
0x60: {  	[sflag:s17] =	ssyncset.done $0x0  }
0x61: {  	[sflag:s17] =	ssyncadd.s32 $0xFFFFFD80  }
0x62: {  	[bflag:$0x0] =	sbarrier.arrive $0xFFFF  }
0x63: {  	[tilespmem:s28], [sflag:$0x4] =	stream.strided.gather [hbm4b:s18+s25], $0x100, s26, s25, $0x38;
	[tilespmem:$0x18680] =	vst v63  }
0x64: {  	_ =	swait.ge [sflag:s17], $0x100  }
0x65: {  	[sflag:s17] =	ssyncset.done $0x0  }
0x66: {  	s19 =	sadd.s32 $0x0, s14;
	[sflag:s17] =	ssyncadd.s32 $0xFFFFFF00  }
0x67: {  	[tilespmem:s29], [sflag:$0x3] =	stream.linear.gather [hbm4b:s19+s5], $0x80, $0x38;
	[tilespmem:$0x18680] =	vst v63  }
0x68: {  	_ = 	snop  }
0x69: {  	[tilespmem:s16], [sflag:$0x1] =	stream.indirect.gather [hbm4b:s1+s25], $0x80, s30, s25, $0xb8;
	[tilespmem:$0x18680] =	vst v63  }
0x6a: {  	_ =	swait.ge [sflag:s31], $0x4000  }
0x6b: {  	[sflag:s31] =	ssyncset.done $0x0  }
0x6c: {  	[sflag:s31] =	ssyncadd.s32 $0xFFFFC000  }
0x6d: {  	_ =	swait.ge [sflag:s2], $0x80  }
0x6e: {  	[sflag:s2] =	ssyncset.done $0x0  }
0x6f: {  	[sflag:s2] =	ssyncadd.s32 $0xFFFFFF80  }
0x70: {  	[spmem:s4] =	stream.indirect.scatter.add.f32 [tilespmem:s29], [sflag:$0x2], $0x1, s28, s25, $0xb8;
	[tilespmem:$0x18680] =	vst v63  }
0x71: {  	_ = 	snop  }
0x72: {  	[spmem:s3] =	stream.indirect.scatter.add.f32 [tilespmem:s16], [sflag:$0x4], $0x80, s28, s25, $0xb8;
	[tilespmem:$0x18680] =	vst v63  }
0x73: {  	_ =	swait.ge [sflag:s17], $0x4000  }
0x74: {  	[sflag:s17] =	ssyncset.done $0x0  }
0x75: {  	[sflag:s17] =	ssyncadd.s32 $0xFFFFC000  }
0x76: {  	_ =	swait.ge [sflag:s0], $0x80  }
0x77: {  	s15 =	simm.s32 $0x80;
	s13 =	smov.u32 s18;
	[sflag:s0] =	ssyncset.done $0x0  }
.LBB2_2:
0x78: {  	p0 =	sne.s32 s15, $0x2700;
	[sflag:s0] =	ssyncadd.s32 $0xFFFFFF80;
	s13 =	sadd.s32 $0x100, s13  }
0x79: {  	[tilespmem:s28], [sflag:$0x4] =	stream.strided.gather [hbm4b:s13+s25], $0x100, s26, s25, $0x38;
	[tilespmem:$0x18680] =	vst v63  }
0x7a: {  	s19 =	smov.u32 s15;
	s15 =	sadd.s32 $0x80, s15;
	_ =	swait.ge [sflag:s17], $0x100  }
0x7b: {  	[sflag:s17] =	ssyncset.done $0x0  }
0x7c: {  	s19 =	sadd.s32 s19, s14;
	[sflag:s17] =	ssyncadd.s32 $0xFFFFFF00  }
0x7d: {  	[tilespmem:s29], [sflag:$0x3] =	stream.linear.gather [hbm4b:s19+s5], $0x80, $0x38;
	[tilespmem:$0x18680] =	vst v63  }
0x7e: {  	_ = 	snop  }
0x7f: {  	[tilespmem:s16], [sflag:$0x1] =	stream.indirect.gather [hbm4b:s1+s25], $0x80, s30, s25, $0xb8;
	[tilespmem:$0x18680] =	vst v63  }
0x80: {  	_ =	swait.ge [sflag:s31], $0x4000  }
0x81: {  	[sflag:s31] =	ssyncset.done $0x0  }
0x82: {  	[sflag:s31] =	ssyncadd.s32 $0xFFFFC000  }
0x83: {  	_ =	swait.ge [sflag:s2], $0x80  }
0x84: {  	[sflag:s2] =	ssyncset.done $0x0  }
0x85: {  	[sflag:s2] =	ssyncadd.s32 $0xFFFFFF80  }
0x86: {  	[spmem:s4] =	stream.indirect.scatter.add.f32 [tilespmem:s29], [sflag:$0x2], $0x1, s28, s25, $0xb8;
	[tilespmem:$0x18680] =	vst v63  }
0x87: {  	_ = 	snop  }
0x88: {  	[spmem:s3] =	stream.indirect.scatter.add.f32 [tilespmem:s16], [sflag:$0x4], $0x80, s28, s25, $0xb8;
	[tilespmem:$0x18680] =	vst v63  }
.Ltmp0:
0x89: {  	_ =	swait.ge [sflag:s17], $0x4000;
	(pc) =	sbr.rel @p0 .LBB2_2-.Ltmp0, $4  }
0x8a: {  	[sflag:s17] =	ssyncset.done $0x0  }
0x8b: {  	[sflag:s17] =	ssyncadd.s32 $0xFFFFC000  }
0x8c: {  	_ =	swait.ge [sflag:s0], $0x80  }
0x8d: {  	[sflag:s0] =	ssyncset.done $0x0  }
0x8e: {  	[sflag:s0] =	ssyncadd.s32 $0xFFFFFF80  }
0x8f: {  	[bflag:$0x0] =	sbarrier.arrive $0xFFFF  }
0x90: {  	[tilespmem:s16], [sflag:$0x4] =	stream.linear.gather [spmem:s7], $0x4000, $0x38;
	[tilespmem:$0x18680] =	vst v63  }
0x91: {  	_ =	swait.ge [sflag:s17], $0x4000  }
0x92: {  	[sflag:s17] =	ssyncset.done $0x0  }
0x93: {  	s13 =	rddreg [dreg:$0x7];
	[sflag:s17] =	ssyncadd.s32 $0xFFFFC000  }
0x94: {  	[hbm4b:s13+s5] =	stream.linear.scatter [tilespmem:s16], [sflag:$0x4], $0x4000, $0x38;
	[tilespmem:$0x18680] =	vst v63  }
0x95: {  	_ =	swait.ge [sflag:s17], $0x4000  }
0x96: {  	[sflag:s17] =	ssyncset.done $0x0  }
0x97: {  	[sflag:s17] =	ssyncadd.s32 $0xFFFFC000  }
0x98: {  	[tilespmem:s16], [sflag:$0x4] =	stream.linear.gather [spmem:s8], $0x4000, $0x38;
	[tilespmem:$0x18680] =	vst v63  }
0x99: {  	_ =	swait.ge [sflag:s17], $0x4000  }
0x9a: {  	[sflag:s17] =	ssyncset.done $0x0  }
0x9b: {  	s19 =	rddreg [dreg:$0x8];
	[sflag:s17] =	ssyncadd.s32 $0xFFFFC000  }
0x9c: {  	[hbm4b:s19+s5] =	stream.linear.scatter [tilespmem:s16], [sflag:$0x4], $0x4000, $0x38;
	[tilespmem:$0x18680] =	vst v63  }
0x9d: {  	_ =	swait.ge [sflag:s17], $0x4000  }
0x9e: {  	[sflag:s17] =	ssyncset.done $0x0  }
0x9f: {  	[sflag:s17] =	ssyncadd.s32 $0xFFFFC000  }
0xa0: {  	[tilespmem:s16], [sflag:$0x4] =	stream.linear.gather [spmem:s9], $0x4000, $0x38;
	[tilespmem:$0x18680] =	vst v63  }
0xa1: {  	_ =	swait.ge [sflag:s17], $0x4000  }
0xa2: {  	[sflag:s17] =	ssyncset.done $0x0  }
0xa3: {  	[sflag:s17] =	ssyncadd.s32 $0xFFFFC000  }
0xa4: {  	[hbm4b:s20+s5] =	stream.linear.scatter [tilespmem:s16], [sflag:$0x4], $0x4000, $0x38;
	[tilespmem:$0x18680] =	vst v63  }
0xa5: {  	_ =	swait.ge [sflag:s17], $0x4000  }
0xa6: {  	[sflag:s17] =	ssyncset.done $0x0  }
0xa7: {  	[sflag:s17] =	ssyncadd.s32 $0xFFFFC000  }
0xa8: {  	[tilespmem:s16], [sflag:$0x4] =	stream.linear.gather [spmem:s10], $0x4000, $0x38;
	[tilespmem:$0x18680] =	vst v63  }
0xa9: {  	_ =	swait.ge [sflag:s17], $0x4000  }
0xaa: {  	[sflag:s17] =	ssyncset.done $0x0  }
0xab: {  	[sflag:s17] =	ssyncadd.s32 $0xFFFFC000  }
0xac: {  	[hbm4b:s21+s5] =	stream.linear.scatter [tilespmem:s16], [sflag:$0x4], $0x4000, $0x38;
	[tilespmem:$0x18680] =	vst v63  }
0xad: {  	_ =	swait.ge [sflag:s17], $0x4000  }
0xae: {  	[sflag:s17] =	ssyncset.done $0x0  }
0xaf: {  	[sflag:s17] =	ssyncadd.s32 $0xFFFFC000  }
0xb0: {  	[tilespmem:s16], [sflag:$0x4] =	stream.linear.gather [spmem:s11], $0x4000, $0x38;
	[tilespmem:$0x18680] =	vst v63  }
0xb1: {  	_ =	swait.ge [sflag:s17], $0x4000  }
0xb2: {  	[sflag:s17] =	ssyncset.done $0x0  }
0xb3: {  	[sflag:s17] =	ssyncadd.s32 $0xFFFFC000  }
0xb4: {  	[hbm4b:s22+s5] =	stream.linear.scatter [tilespmem:s16], [sflag:$0x4], $0x4000, $0x38;
	[tilespmem:$0x18680] =	vst v63  }
0xb5: {  	_ =	swait.ge [sflag:s17], $0x4000  }
0xb6: {  	[sflag:s17] =	ssyncset.done $0x0  }
0xb7: {  	[sflag:s17] =	ssyncadd.s32 $0xFFFFC000  }
0xb8: {  	[tilespmem:s23], [sflag:$0x4] =	stream.linear.gather [spmem:s12], $0x280, $0x38;
	[tilespmem:$0x18680] =	vst v63  }
0xb9: {  	_ =	swait.ge [sflag:s17], $0x280  }
0xba: {  	[sflag:s17] =	ssyncset.done $0x0  }
0xbb: {  	s15 =	simm.s32 $0x100;
	[sflag:s17] =	ssyncadd.s32 $0xFFFFFD80  }
0xbc: {  	[hbm4b:s24+s25] =	stream.strided.scatter [tilespmem:s23], [sflag:$0x4], $0x280, s15, s25, $0x38;
	[tilespmem:$0x18680] =	vst v63  }
0xbd: {  	_ =	swait.ge [sflag:s17], $0x280  }
0xbe: {  	s6 =	sadd.s32 $0x1, s6;
	s19 =	rddreg [dreg:$0x6]  }
0xbf: {  	p0 =	sne.s32 s6, s19  }
.Ltmp1:
0xc0: {  	_ = 	snop;
	(pc) =	sbr.rel @p0 .LBB2_1-.Ltmp1, $3  }
0xc1: {  	_ =	sdelay $0x1  }
0xc2: {  	[sflag:s17] =	ssyncset.done $0x0  }
0xc3: {  	[sflag:s17] =	ssyncadd.s32 $0xFFFFFD80  }
0xc4: {  	_ =	sfence.sel $0x180000  }
0xc5: {  	[bflag:$0x0] =	sbarrier.arrive $0xFFFF  }
0xc6: {  	_ =	strace $0x90000047  }
0xc7: {  	s0 =	stileid.u32;
	[bflag:$0x2] =	sbarrier.arrive $0xFFFF  }
0xc8: {  	p0 =	sne.s32 s0, $0x0;
	s0 =	rddreg [dreg:$0x4]  }
0xc9: {  	s0 =	sadd.s32 @!p0 $0x100000, s0  }
0xca: {  	[sflag:s0] =	ssyncadd.tile.s32 @!p0 $0x1;
	_ =	shalt  }
.Lfunc_end2:
_tile_overlayer_lowered:
.L_overlay_start_2:
0xcb: {  	(tag) =	ssettag $0x2  }
0xcc: {  	s0 =	rddreg [dreg:$0x0];
	s2 =	stileid.u32  }
0xcd: {  	s1 =	rddreg [dreg:$0x1];
	p0 =	sne.s32 s2, $0x0  }
0xce: {  	s3 =	rddreg [dreg:$0x2];
	[bflag:$0x3] =	sbarrier.arrive $0xFFFF;
	s2 =	simm.s32 @!p0 $0x1C04  }
0xcf: {  	[timem:s3], [sflag:s2] =	dma.local @!p0 [hbm:s0], s1  }
0xd0: {  	s0 =	simm.s32 @!p0 $0x4  }
0xd1: {  	_ =	swait.ge @!p0 [sflag:s0], s1  }
0xd2: {  	s1 =	ssub.s32 @!p0 $0x0, s1;
	[sflag:s0] =	ssyncset.done @!p0 $0x0  }
0xd3: {  	[sflag:s0] =	ssyncadd.s32 @!p0 s1  }
0xd4: {  	[bflag:$0x3] =	sbarrier.arrive $0xFFFF  }
0xd5: {  	_ =	shalt  }

</sc_bundles>
